<compile_context>
chip_gen: v7x
topology: tpu7x:2x2x1
jax: 0.10.2.dev20260603
libtpu: 0.0.44.dev20260713+nightly
codegen_flags: <defaults>
</compile_context>

<pallas_src>
import functools

import jax
import jax.numpy as jnp
from jax import lax
from jax.experimental import pallas as pl
from jax.experimental.pallas import tpu as pltpu
from jax.experimental.pallas import tpu_sc as plsc

_NUM_CORES = 2
_NUM_SUBCORES = 16
_NUM_WORKERS = _NUM_CORES * _NUM_SUBCORES
_NBUF = 6
_CHUNK_ROWS = 8


def _copy_body(k_in, v_in, k_out, v_out, *scratch, rows_per_worker):
    bufs = scratch[:_NBUF]
    gsems = scratch[_NBUF:2 * _NBUF]
    ssems = scratch[2 * _NBUF:3 * _NBUF]
    wid = lax.axis_index("s") * _NUM_CORES + lax.axis_index("c")
    base = wid * rows_per_worker

    n_per_tensor = rows_per_worker // _CHUNK_ROWS
    chunks = []
    for src, dst in ((k_in, k_out), (v_in, v_out)):
        for c in range(n_per_tensor):
            chunks.append((src, dst, c * _CHUNK_ROWS))
    n = len(chunks)

    gathers = [None] * _NBUF
    for j in range(min(_NBUF, n)):
        src, _, off = chunks[j]
        sl = pl.ds(base + off, _CHUNK_ROWS)
        gathers[j] = pltpu.async_copy(src.at[sl], bufs[j], gsems[j])

    for j in range(n):
        b = j % _NBUF
        _, dst, off = chunks[j]
        sl = pl.ds(base + off, _CHUNK_ROWS)
        gathers[b].wait()
        scat = pltpu.async_copy(bufs[b], dst.at[sl], ssems[b])
        jn = j + _NBUF
        if jn < n:
            src_n, _, off_n = chunks[jn]
            sl_n = pl.ds(base + off_n, _CHUNK_ROWS)
            scat.wait()
            gathers[b] = pltpu.async_copy(src_n.at[sl_n], bufs[b], gsems[b])
        else:
            scat.wait()


def kernel(k, v, k_cache, v_cache):
    L, H, D = k.shape
    rows_per_worker = L // _NUM_WORKERS
    assert rows_per_worker * _NUM_WORKERS == L
    assert rows_per_worker % _CHUNK_ROWS == 0
    mesh = plsc.VectorSubcoreMesh(core_axis_name="c", subcore_axis_name="s")
    body = functools.partial(_copy_body, rows_per_worker=rows_per_worker)
    scratch = (
        [pltpu.VMEM((_CHUNK_ROWS, H, D), k.dtype) for _ in range(_NBUF)]
        + [pltpu.SemaphoreType.DMA for _ in range(2 * _NBUF)]
    )
    k_out, v_out = pl.kernel(
        body,
        out_type=[
            jax.ShapeDtypeStruct(k.shape, k.dtype),
            jax.ShapeDtypeStruct(v.shape, v.dtype),
        ],
        mesh=mesh,
        scratch_types=scratch,
    )(k, v)
    return (k_out, v_out)

# --- scband reference (transcript-rebuilt; emitter-appended) ---
"""Pipeline reference for scband-kvcache-63075889709214 (READ-ONLY COPY).

The authoritative reference and input builder live on the scoring server;
editing this copy changes nothing except your own understanding.
"""

import jax, jax.numpy as jnp
import numpy as np

MAX_SEQ_LEN = 8192
N_KV_HEADS = 16
D_HEAD = 128
WRITE_LEN = 4096


def setup_inputs(seed: int = 0) -> dict:
    key = jax.random.key(seed)
    k1, k2 = jax.random.split(key)
    k = jax.random.normal(k1, (WRITE_LEN, N_KV_HEADS, D_HEAD), dtype=jnp.float32)
    v = jax.random.normal(k2, (WRITE_LEN, N_KV_HEADS, D_HEAD), dtype=jnp.float32)
    k_cache = jnp.zeros((MAX_SEQ_LEN, N_KV_HEADS, D_HEAD), dtype=jnp.float32)
    v_cache = jnp.zeros((MAX_SEQ_LEN, N_KV_HEADS, D_HEAD), dtype=jnp.float32)
    return {"k": k, "v": v, "k_cache": k_cache, "v_cache": v_cache}


def reference(k, v, k_cache, v_cache):
    # Emulates: cache.forward(k, v)  (write at seq_len=0), then cache.forward()  (read).
    L = k.shape[0]
    k_cache = jax.lax.dynamic_update_slice(k_cache, k, (0, 0, 0))
    v_cache = jax.lax.dynamic_update_slice(v_cache, v, (0, 0, 0))
    k_out = jax.lax.dynamic_slice_in_dim(k_cache, 0, L, axis=0)
    v_out = jax.lax.dynamic_slice_in_dim(v_cache, 0, L, axis=0)
    return (k_out, v_out)

if __name__ == "__main__":
    import jax
    _d = setup_inputs()
    print(jax.jit(kernel)(*tuple(_d.values())))

</pallas_src>

<mosaic_0001>
#map = affine_map<(d0, d1) -> (0, 0, 0)>
module attributes {stable_mosaic.version = 14 : i64} {
  func.func @_copy_body(%arg0: i32, %arg1: i32, %arg2: memref<4096x16x128xf32, #tpu.memory_space<hbm>>, %arg3: memref<4096x16x128xf32, #tpu.memory_space<hbm>>, %arg4: memref<4096x16x128xf32, #tpu.memory_space<hbm>>, %arg5: memref<4096x16x128xf32, #tpu.memory_space<hbm>>, %arg6: memref<8x16x128xf32, #tpu.memory_space<vmem>>, %arg7: memref<8x16x128xf32, #tpu.memory_space<vmem>>, %arg8: memref<8x16x128xf32, #tpu.memory_space<vmem>>, %arg9: memref<8x16x128xf32, #tpu.memory_space<vmem>>, %arg10: memref<8x16x128xf32, #tpu.memory_space<vmem>>, %arg11: memref<8x16x128xf32, #tpu.memory_space<vmem>>, %arg12: memref<!tpu.dma_semaphore, #tpu.memory_space<semaphore_mem>>, %arg13: memref<!tpu.dma_semaphore, #tpu.memory_space<semaphore_mem>>, %arg14: memref<!tpu.dma_semaphore, #tpu.memory_space<semaphore_mem>>, %arg15: memref<!tpu.dma_semaphore, #tpu.memory_space<semaphore_mem>>, %arg16: memref<!tpu.dma_semaphore, #tpu.memory_space<semaphore_mem>>, %arg17: memref<!tpu.dma_semaphore, #tpu.memory_space<semaphore_mem>>, %arg18: memref<!tpu.dma_semaphore, #tpu.memory_space<semaphore_mem>>, %arg19: memref<!tpu.dma_semaphore, #tpu.memory_space<semaphore_mem>>, %arg20: memref<!tpu.dma_semaphore, #tpu.memory_space<semaphore_mem>>, %arg21: memref<!tpu.dma_semaphore, #tpu.memory_space<semaphore_mem>>, %arg22: memref<!tpu.dma_semaphore, #tpu.memory_space<semaphore_mem>>, %arg23: memref<!tpu.dma_semaphore, #tpu.memory_space<semaphore_mem>>) attributes {dimension_semantics = [#tpu.dimension_semantics<core_parallel>, #tpu.dimension_semantics<subcore_parallel>], iteration_bounds = array<i64: 2, 16>, scalar_prefetch = 0 : i64, scratch_operands = 18 : i64, tpu.core_type = #tpu.core_type<sc_vector_subcore>, window_params = [{transform_indices = #map}, {transform_indices = #map}, {transform_indices = #map}, {transform_indices = #map}]} {
    %mul3A = arith.constant 2 : i32
    %mul3A_0 = arith.muli %arg1, %mul3A : i32
    %add3A = arith.addi %mul3A_0, %arg0 : i32
    %mul3A_1 = arith.constant 128 : i32
    %mul3A_2 = arith.muli %add3A, %mul3A_1 : i32
    %add3A_3 = arith.constant 0 : i32
    %add3A_4 = arith.addi %mul3A_2, %add3A_3 : i32
    %dma_start3A = arith.constant 0 : i32
    %dma_start3A_5 = arith.constant 0 : i32
    %dma_start3A_6 = tpu.memref_slice %arg2[%add3A_4, %dma_start3A, %dma_start3A_5] : memref<4096x16x128xf32, #tpu.memory_space<hbm>> -> memref<8x16x128xf32, #tpu.memory_space<hbm>>
    %dma_start3A_7 = arith.constant 0 : i32
    %dma_start3A_8 = arith.constant 0 : i32
    %dma_start3A_9 = tpu.memref_slice %arg2[%add3A_4, %dma_start3A_7, %dma_start3A_8] : memref<4096x16x128xf32, #tpu.memory_space<hbm>> -> memref<8x16x128xf32, #tpu.memory_space<hbm>>
    tpu.enqueue_dma source(%dma_start3A_9 : memref<8x16x128xf32, #tpu.memory_space<hbm>>) target(%arg6 : memref<8x16x128xf32, #tpu.memory_space<vmem>>) target_semaphore(%arg12 : memref<!tpu.dma_semaphore, #tpu.memory_space<semaphore_mem>>)
    %add3A_10 = arith.constant 8 : i32
    %add3A_11 = arith.addi %mul3A_2, %add3A_10 : i32
    %dma_start3A_12 = arith.constant 0 : i32
    %dma_start3A_13 = arith.constant 0 : i32
    %dma_start3A_14 = tpu.memref_slice %arg2[%add3A_11, %dma_start3A_12, %dma_start3A_13] : memref<4096x16x128xf32, #tpu.memory_space<hbm>> -> memref<8x16x128xf32, #tpu.memory_space<hbm>>
    %dma_start3A_15 = arith.constant 0 : i32
    %dma_start3A_16 = arith.constant 0 : i32
    %dma_start3A_17 = tpu.memref_slice %arg2[%add3A_11, %dma_start3A_15, %dma_start3A_16] : memref<4096x16x128xf32, #tpu.memory_space<hbm>> -> memref<8x16x128xf32, #tpu.memory_space<hbm>>
    tpu.enqueue_dma source(%dma_start3A_17 : memref<8x16x128xf32, #tpu.memory_space<hbm>>) target(%arg7 : memref<8x16x128xf32, #tpu.memory_space<vmem>>) target_semaphore(%arg13 : memref<!tpu.dma_semaphore, #tpu.memory_space<semaphore_mem>>)
    %add3A_18 = arith.constant 16 : i32
    %add3A_19 = arith.addi %mul3A_2, %add3A_18 : i32
    %dma_start3A_20 = arith.constant 0 : i32
    %dma_start3A_21 = arith.constant 0 : i32
    %dma_start3A_22 = tpu.memref_slice %arg2[%add3A_19, %dma_start3A_20, %dma_start3A_21] : memref<4096x16x128xf32, #tpu.memory_space<hbm>> -> memref<8x16x128xf32, #tpu.memory_space<hbm>>
    %dma_start3A_23 = arith.constant 0 : i32
    %dma_start3A_24 = arith.constant 0 : i32
    %dma_start3A_25 = tpu.memref_slice %arg2[%add3A_19, %dma_start3A_23, %dma_start3A_24] : memref<4096x16x128xf32, #tpu.memory_space<hbm>> -> memref<8x16x128xf32, #tpu.memory_space<hbm>>
    tpu.enqueue_dma source(%dma_start3A_25 : memref<8x16x128xf32, #tpu.memory_space<hbm>>) target(%arg8 : memref<8x16x128xf32, #tpu.memory_space<vmem>>) target_semaphore(%arg14 : memref<!tpu.dma_semaphore, #tpu.memory_space<semaphore_mem>>)
    %add3A_26 = arith.constant 24 : i32
    %add3A_27 = arith.addi %mul3A_2, %add3A_26 : i32
    %dma_start3A_28 = arith.constant 0 : i32
    %dma_start3A_29 = arith.constant 0 : i32
    %dma_start3A_30 = tpu.memref_slice %arg2[%add3A_27, %dma_start3A_28, %dma_start3A_29] : memref<4096x16x128xf32, #tpu.memory_space<hbm>> -> memref<8x16x128xf32, #tpu.memory_space<hbm>>
    %dma_start3A_31 = arith.constant 0 : i32
    %dma_start3A_32 = arith.constant 0 : i32
    %dma_start3A_33 = tpu.memref_slice %arg2[%add3A_27, %dma_start3A_31, %dma_start3A_32] : memref<4096x16x128xf32, #tpu.memory_space<hbm>> -> memref<8x16x128xf32, #tpu.memory_space<hbm>>
    tpu.enqueue_dma source(%dma_start3A_33 : memref<8x16x128xf32, #tpu.memory_space<hbm>>) target(%arg9 : memref<8x16x128xf32, #tpu.memory_space<vmem>>) target_semaphore(%arg15 : memref<!tpu.dma_semaphore, #tpu.memory_space<semaphore_mem>>)
    %add3A_34 = arith.constant 32 : i32
    %add3A_35 = arith.addi %mul3A_2, %add3A_34 : i32
    %dma_start3A_36 = arith.constant 0 : i32
    %dma_start3A_37 = arith.constant 0 : i32
    %dma_start3A_38 = tpu.memref_slice %arg2[%add3A_35, %dma_start3A_36, %dma_start3A_37] : memref<4096x16x128xf32, #tpu.memory_space<hbm>> -> memref<8x16x128xf32, #tpu.memory_space<hbm>>
    %dma_start3A_39 = arith.constant 0 : i32
    %dma_start3A_40 = arith.constant 0 : i32
    %dma_start3A_41 = tpu.memref_slice %arg2[%add3A_35, %dma_start3A_39, %dma_start3A_40] : memref<4096x16x128xf32, #tpu.memory_space<hbm>> -> memref<8x16x128xf32, #tpu.memory_space<hbm>>
    tpu.enqueue_dma source(%dma_start3A_41 : memref<8x16x128xf32, #tpu.memory_space<hbm>>) target(%arg10 : memref<8x16x128xf32, #tpu.memory_space<vmem>>) target_semaphore(%arg16 : memref<!tpu.dma_semaphore, #tpu.memory_space<semaphore_mem>>)
    %add3A_42 = arith.constant 40 : i32
    %add3A_43 = arith.addi %mul3A_2, %add3A_42 : i32
    %dma_start3A_44 = arith.constant 0 : i32
    %dma_start3A_45 = arith.constant 0 : i32
    %dma_start3A_46 = tpu.memref_slice %arg2[%add3A_43, %dma_start3A_44, %dma_start3A_45] : memref<4096x16x128xf32, #tpu.memory_space<hbm>> -> memref<8x16x128xf32, #tpu.memory_space<hbm>>
    %dma_start3A_47 = arith.constant 0 : i32
    %dma_start3A_48 = arith.constant 0 : i32
    %dma_start3A_49 = tpu.memref_slice %arg2[%add3A_43, %dma_start3A_47, %dma_start3A_48] : memref<4096x16x128xf32, #tpu.memory_space<hbm>> -> memref<8x16x128xf32, #tpu.memory_space<hbm>>
    tpu.enqueue_dma source(%dma_start3A_49 : memref<8x16x128xf32, #tpu.memory_space<hbm>>) target(%arg11 : memref<8x16x128xf32, #tpu.memory_space<vmem>>) target_semaphore(%arg17 : memref<!tpu.dma_semaphore, #tpu.memory_space<semaphore_mem>>)
    %add3A_50 = arith.constant 0 : i32
    %add3A_51 = arith.addi %mul3A_2, %add3A_50 : i32
    %dma_wait3A = arith.constant 0 : i32
    %dma_wait3A_52 = arith.constant 0 : i32
    %dma_wait3A_53 = tpu.memref_slice %arg2[%add3A_4, %dma_wait3A, %dma_wait3A_52] : memref<4096x16x128xf32, #tpu.memory_space<hbm>> -> memref<8x16x128xf32, #tpu.memory_space<hbm>>
    %dma_wait3A_54 = arith.constant 0 : i32
    %dma_wait3A_55 = arith.constant 0 : i32
    %dma_wait3A_56 = tpu.memref_slice %arg2[%add3A_4, %dma_wait3A_54, %dma_wait3A_55] : memref<4096x16x128xf32, #tpu.memory_space<hbm>> -> memref<8x16x128xf32, #tpu.memory_space<hbm>>
    tpu.wait_dma2 semaphore(%arg12 : memref<!tpu.dma_semaphore, #tpu.memory_space<semaphore_mem>>) src(%dma_wait3A_56 : memref<8x16x128xf32, #tpu.memory_space<hbm>>) dst(%arg6 : memref<8x16x128xf32, #tpu.memory_space<vmem>>)
    %dma_start3A_57 = arith.constant 0 : i32
    %dma_start3A_58 = arith.constant 0 : i32
    %dma_start3A_59 = tpu.memref_slice %arg4[%add3A_51, %dma_start3A_57, %dma_start3A_58] : memref<4096x16x128xf32, #tpu.memory_space<hbm>> -> memref<8x16x128xf32, #tpu.memory_space<hbm>>
    %dma_start3A_60 = arith.constant 0 : i32
    %dma_start3A_61 = arith.constant 0 : i32
    %dma_start3A_62 = tpu.memref_slice %arg4[%add3A_51, %dma_start3A_60, %dma_start3A_61] : memref<4096x16x128xf32, #tpu.memory_space<hbm>> -> memref<8x16x128xf32, #tpu.memory_space<hbm>>
    tpu.enqueue_dma source(%arg6 : memref<8x16x128xf32, #tpu.memory_space<vmem>>) target(%dma_start3A_62 : memref<8x16x128xf32, #tpu.memory_space<hbm>>) target_semaphore(%arg18 : memref<!tpu.dma_semaphore, #tpu.memory_space<semaphore_mem>>)
    %add3A_63 = arith.constant 48 : i32
    %add3A_64 = arith.addi %mul3A_2, %add3A_63 : i32
    %dma_wait3A_65 = arith.constant 0 : i32
    %dma_wait3A_66 = arith.constant 0 : i32
    %dma_wait3A_67 = tpu.memref_slice %arg4[%add3A_51, %dma_wait3A_65, %dma_wait3A_66] : memref<4096x16x128xf32, #tpu.memory_space<hbm>> -> memref<8x16x128xf32, #tpu.memory_space<hbm>>
    %dma_wait3A_68 = arith.constant 0 : i32
    %dma_wait3A_69 = arith.constant 0 : i32
    %dma_wait3A_70 = tpu.memref_slice %arg4[%add3A_51, %dma_wait3A_68, %dma_wait3A_69] : memref<4096x16x128xf32, #tpu.memory_space<hbm>> -> memref<8x16x128xf32, #tpu.memory_space<hbm>>
    tpu.wait_dma2 semaphore(%arg18 : memref<!tpu.dma_semaphore, #tpu.memory_space<semaphore_mem>>) src(%arg6 : memref<8x16x128xf32, #tpu.memory_space<vmem>>) dst(%dma_wait3A_70 : memref<8x16x128xf32, #tpu.memory_space<hbm>>)
    %dma_start3A_71 = arith.constant 0 : i32
    %dma_start3A_72 = arith.constant 0 : i32
    %dma_start3A_73 = tpu.memref_slice %arg2[%add3A_64, %dma_start3A_71, %dma_start3A_72] : memref<4096x16x128xf32, #tpu.memory_space<hbm>> -> memref<8x16x128xf32, #tpu.memory_space<hbm>>
    %dma_start3A_74 = arith.constant 0 : i32
    %dma_start3A_75 = arith.constant 0 : i32
    %dma_start3A_76 = tpu.memref_slice %arg2[%add3A_64, %dma_start3A_74, %dma_start3A_75] : memref<4096x16x128xf32, #tpu.memory_space<hbm>> -> memref<8x16x128xf32, #tpu.memory_space<hbm>>
    tpu.enqueue_dma source(%dma_start3A_76 : memref<8x16x128xf32, #tpu.memory_space<hbm>>) target(%arg6 : memref<8x16x128xf32, #tpu.memory_space<vmem>>) target_semaphore(%arg12 : memref<!tpu.dma_semaphore, #tpu.memory_space<semaphore_mem>>)
    %add3A_77 = arith.constant 8 : i32
    %add3A_78 = arith.addi %mul3A_2, %add3A_77 : i32
    %dma_wait3A_79 = arith.constant 0 : i32
    %dma_wait3A_80 = arith.constant 0 : i32
    %dma_wait3A_81 = tpu.memref_slice %arg2[%add3A_11, %dma_wait3A_79, %dma_wait3A_80] : memref<4096x16x128xf32, #tpu.memory_space<hbm>> -> memref<8x16x128xf32, #tpu.memory_space<hbm>>
    %dma_wait3A_82 = arith.constant 0 : i32
    %dma_wait3A_83 = arith.constant 0 : i32
    %dma_wait3A_84 = tpu.memref_slice %arg2[%add3A_11, %dma_wait3A_82, %dma_wait3A_83] : memref<4096x16x128xf32, #tpu.memory_space<hbm>> -> memref<8x16x128xf32, #tpu.memory_space<hbm>>
    tpu.wait_dma2 semaphore(%arg13 : memref<!tpu.dma_semaphore, #tpu.memory_space<semaphore_mem>>) src(%dma_wait3A_84 : memref<8x16x128xf32, #tpu.memory_space<hbm>>) dst(%arg7 : memref<8x16x128xf32, #tpu.memory_space<vmem>>)
    %dma_start3A_85 = arith.constant 0 : i32
    %dma_start3A_86 = arith.constant 0 : i32
    %dma_start3A_87 = tpu.memref_slice %arg4[%add3A_78, %dma_start3A_85, %dma_start3A_86] : memref<4096x16x128xf32, #tpu.memory_space<hbm>> -> memref<8x16x128xf32, #tpu.memory_space<hbm>>
    %dma_start3A_88 = arith.constant 0 : i32
    %dma_start3A_89 = arith.constant 0 : i32
    %dma_start3A_90 = tpu.memref_slice %arg4[%add3A_78, %dma_start3A_88, %dma_start3A_89] : memref<4096x16x128xf32, #tpu.memory_space<hbm>> -> memref<8x16x128xf32, #tpu.memory_space<hbm>>
    tpu.enqueue_dma source(%arg7 : memref<8x16x128xf32, #tpu.memory_space<vmem>>) target(%dma_start3A_90 : memref<8x16x128xf32, #tpu.memory_space<hbm>>) target_semaphore(%arg19 : memref<!tpu.dma_semaphore, #tpu.memory_space<semaphore_mem>>)
    %add3A_91 = arith.constant 56 : i32
    %add3A_92 = arith.addi %mul3A_2, %add3A_91 : i32
    %dma_wait3A_93 = arith.constant 0 : i32
    %dma_wait3A_94 = arith.constant 0 : i32
    %dma_wait3A_95 = tpu.memref_slice %arg4[%add3A_78, %dma_wait3A_93, %dma_wait3A_94] : memref<4096x16x128xf32, #tpu.memory_space<hbm>> -> memref<8x16x128xf32, #tpu.memory_space<hbm>>
    %dma_wait3A_96 = arith.constant 0 : i32
    %dma_wait3A_97 = arith.constant 0 : i32
    %dma_wait3A_98 = tpu.memref_slice %arg4[%add3A_78, %dma_wait3A_96, %dma_wait3A_97] : memref<4096x16x128xf32, #tpu.memory_space<hbm>> -> memref<8x16x128xf32, #tpu.memory_space<hbm>>
    tpu.wait_dma2 semaphore(%arg19 : memref<!tpu.dma_semaphore, #tpu.memory_space<semaphore_mem>>) src(%arg7 : memref<8x16x128xf32, #tpu.memory_space<vmem>>) dst(%dma_wait3A_98 : memref<8x16x128xf32, #tpu.memory_space<hbm>>)
    %dma_start3A_99 = arith.constant 0 : i32
    %dma_start3A_100 = arith.constant 0 : i32
    %dma_start3A_101 = tpu.memref_slice %arg2[%add3A_92, %dma_start3A_99, %dma_start3A_100] : memref<4096x16x128xf32, #tpu.memory_space<hbm>> -> memref<8x16x128xf32, #tpu.memory_space<hbm>>
    %dma_start3A_102 = arith.constant 0 : i32
    %dma_start3A_103 = arith.constant 0 : i32
    %dma_start3A_104 = tpu.memref_slice %arg2[%add3A_92, %dma_start3A_102, %dma_start3A_103] : memref<4096x16x128xf32, #tpu.memory_space<hbm>> -> memref<8x16x128xf32, #tpu.memory_space<hbm>>
    tpu.enqueue_dma source(%dma_start3A_104 : memref<8x16x128xf32, #tpu.memory_space<hbm>>) target(%arg7 : memref<8x16x128xf32, #tpu.memory_space<vmem>>) target_semaphore(%arg13 : memref<!tpu.dma_semaphore, #tpu.memory_space<semaphore_mem>>)
    %add3A_105 = arith.constant 16 : i32
    %add3A_106 = arith.addi %mul3A_2, %add3A_105 : i32
    %dma_wait3A_107 = arith.constant 0 : i32
    %dma_wait3A_108 = arith.constant 0 : i32
    %dma_wait3A_109 = tpu.memref_slice %arg2[%add3A_19, %dma_wait3A_107, %dma_wait3A_108] : memref<4096x16x128xf32, #tpu.memory_space<hbm>> -> memref<8x16x128xf32, #tpu.memory_space<hbm>>
    %dma_wait3A_110 = arith.constant 0 : i32
    %dma_wait3A_111 = arith.constant 0 : i32
    %dma_wait3A_112 = tpu.memref_slice %arg2[%add3A_19, %dma_wait3A_110, %dma_wait3A_111] : memref<4096x16x128xf32, #tpu.memory_space<hbm>> -> memref<8x16x128xf32, #tpu.memory_space<hbm>>
    tpu.wait_dma2 semaphore(%arg14 : memref<!tpu.dma_semaphore, #tpu.memory_space<semaphore_mem>>) src(%dma_wait3A_112 : memref<8x16x128xf32, #tpu.memory_space<hbm>>) dst(%arg8 : memref<8x16x128xf32, #tpu.memory_space<vmem>>)
    %dma_start3A_113 = arith.constant 0 : i32
    %dma_start3A_114 = arith.constant 0 : i32
    %dma_start3A_115 = tpu.memref_slice %arg4[%add3A_106, %dma_start3A_113, %dma_start3A_114] : memref<4096x16x128xf32, #tpu.memory_space<hbm>> -> memref<8x16x128xf32, #tpu.memory_space<hbm>>
    %dma_start3A_116 = arith.constant 0 : i32
    %dma_start3A_117 = arith.constant 0 : i32
    %dma_start3A_118 = tpu.memref_slice %arg4[%add3A_106, %dma_start3A_116, %dma_start3A_117] : memref<4096x16x128xf32, #tpu.memory_space<hbm>> -> memref<8x16x128xf32, #tpu.memory_space<hbm>>
    tpu.enqueue_dma source(%arg8 : memref<8x16x128xf32, #tpu.memory_space<vmem>>) target(%dma_start3A_118 : memref<8x16x128xf32, #tpu.memory_space<hbm>>) target_semaphore(%arg20 : memref<!tpu.dma_semaphore, #tpu.memory_space<semaphore_mem>>)
    %add3A_119 = arith.constant 64 : i32
    %add3A_120 = arith.addi %mul3A_2, %add3A_119 : i32
    %dma_wait3A_121 = arith.constant 0 : i32
    %dma_wait3A_122 = arith.constant 0 : i32
    %dma_wait3A_123 = tpu.memref_slice %arg4[%add3A_106, %dma_wait3A_121, %dma_wait3A_122] : memref<4096x16x128xf32, #tpu.memory_space<hbm>> -> memref<8x16x128xf32, #tpu.memory_space<hbm>>
    %dma_wait3A_124 = arith.constant 0 : i32
    %dma_wait3A_125 = arith.constant 0 : i32
    %dma_wait3A_126 = tpu.memref_slice %arg4[%add3A_106, %dma_wait3A_124, %dma_wait3A_125] : memref<4096x16x128xf32, #tpu.memory_space<hbm>> -> memref<8x16x128xf32, #tpu.memory_space<hbm>>
    tpu.wait_dma2 semaphore(%arg20 : memref<!tpu.dma_semaphore, #tpu.memory_space<semaphore_mem>>) src(%arg8 : memref<8x16x128xf32, #tpu.memory_space<vmem>>) dst(%dma_wait3A_126 : memref<8x16x128xf32, #tpu.memory_space<hbm>>)
    %dma_start3A_127 = arith.constant 0 : i32
    %dma_start3A_128 = arith.constant 0 : i32
    %dma_start3A_129 = tpu.memref_slice %arg2[%add3A_120, %dma_start3A_127, %dma_start3A_128] : memref<4096x16x128xf32, #tpu.memory_space<hbm>> -> memref<8x16x128xf32, #tpu.memory_space<hbm>>
    %dma_start3A_130 = arith.constant 0 : i32
    %dma_start3A_131 = arith.constant 0 : i32
    %dma_start3A_132 = tpu.memref_slice %arg2[%add3A_120, %dma_start3A_130, %dma_start3A_131] : memref<4096x16x128xf32, #tpu.memory_space<hbm>> -> memref<8x16x128xf32, #tpu.memory_space<hbm>>
    tpu.enqueue_dma source(%dma_start3A_132 : memref<8x16x128xf32, #tpu.memory_space<hbm>>) target(%arg8 : memref<8x16x128xf32, #tpu.memory_space<vmem>>) target_semaphore(%arg14 : memref<!tpu.dma_semaphore, #tpu.memory_space<semaphore_mem>>)
    %add3A_133 = arith.constant 24 : i32
    %add3A_134 = arith.addi %mul3A_2, %add3A_133 : i32
    %dma_wait3A_135 = arith.constant 0 : i32
    %dma_wait3A_136 = arith.constant 0 : i32
    %dma_wait3A_137 = tpu.memref_slice %arg2[%add3A_27, %dma_wait3A_135, %dma_wait3A_136] : memref<4096x16x128xf32, #tpu.memory_space<hbm>> -> memref<8x16x128xf32, #tpu.memory_space<hbm>>
    %dma_wait3A_138 = arith.constant 0 : i32
    %dma_wait3A_139 = arith.constant 0 : i32
    %dma_wait3A_140 = tpu.memref_slice %arg2[%add3A_27, %dma_wait3A_138, %dma_wait3A_139] : memref<4096x16x128xf32, #tpu.memory_space<hbm>> -> memref<8x16x128xf32, #tpu.memory_space<hbm>>
    tpu.wait_dma2 semaphore(%arg15 : memref<!tpu.dma_semaphore, #tpu.memory_space<semaphore_mem>>) src(%dma_wait3A_140 : memref<8x16x128xf32, #tpu.memory_space<hbm>>) dst(%arg9 : memref<8x16x128xf32, #tpu.memory_space<vmem>>)
    %dma_start3A_141 = arith.constant 0 : i32
    %dma_start3A_142 = arith.constant 0 : i32
    %dma_start3A_143 = tpu.memref_slice %arg4[%add3A_134, %dma_start3A_141, %dma_start3A_142] : memref<4096x16x128xf32, #tpu.memory_space<hbm>> -> memref<8x16x128xf32, #tpu.memory_space<hbm>>
    %dma_start3A_144 = arith.constant 0 : i32
    %dma_start3A_145 = arith.constant 0 : i32
    %dma_start3A_146 = tpu.memref_slice %arg4[%add3A_134, %dma_start3A_144, %dma_start3A_145] : memref<4096x16x128xf32, #tpu.memory_space<hbm>> -> memref<8x16x128xf32, #tpu.memory_space<hbm>>
    tpu.enqueue_dma source(%arg9 : memref<8x16x128xf32, #tpu.memory_space<vmem>>) target(%dma_start3A_146 : memref<8x16x128xf32, #tpu.memory_space<hbm>>) target_semaphore(%arg21 : memref<!tpu.dma_semaphore, #tpu.memory_space<semaphore_mem>>)
    %add3A_147 = arith.constant 72 : i32
    %add3A_148 = arith.addi %mul3A_2, %add3A_147 : i32
    %dma_wait3A_149 = arith.constant 0 : i32
    %dma_wait3A_150 = arith.constant 0 : i32
    %dma_wait3A_151 = tpu.memref_slice %arg4[%add3A_134, %dma_wait3A_149, %dma_wait3A_150] : memref<4096x16x128xf32, #tpu.memory_space<hbm>> -> memref<8x16x128xf32, #tpu.memory_space<hbm>>
    %dma_wait3A_152 = arith.constant 0 : i32
    %dma_wait3A_153 = arith.constant 0 : i32
    %dma_wait3A_154 = tpu.memref_slice %arg4[%add3A_134, %dma_wait3A_152, %dma_wait3A_153] : memref<4096x16x128xf32, #tpu.memory_space<hbm>> -> memref<8x16x128xf32, #tpu.memory_space<hbm>>
    tpu.wait_dma2 semaphore(%arg21 : memref<!tpu.dma_semaphore, #tpu.memory_space<semaphore_mem>>) src(%arg9 : memref<8x16x128xf32, #tpu.memory_space<vmem>>) dst(%dma_wait3A_154 : memref<8x16x128xf32, #tpu.memory_space<hbm>>)
    %dma_start3A_155 = arith.constant 0 : i32
    %dma_start3A_156 = arith.constant 0 : i32
    %dma_start3A_157 = tpu.memref_slice %arg2[%add3A_148, %dma_start3A_155, %dma_start3A_156] : memref<4096x16x128xf32, #tpu.memory_space<hbm>> -> memref<8x16x128xf32, #tpu.memory_space<hbm>>
    %dma_start3A_158 = arith.constant 0 : i32
    %dma_start3A_159 = arith.constant 0 : i32
    %dma_start3A_160 = tpu.memref_slice %arg2[%add3A_148, %dma_start3A_158, %dma_start3A_159] : memref<4096x16x128xf32, #tpu.memory_space<hbm>> -> memref<8x16x128xf32, #tpu.memory_space<hbm>>
    tpu.enqueue_dma source(%dma_start3A_160 : memref<8x16x128xf32, #tpu.memory_space<hbm>>) target(%arg9 : memref<8x16x128xf32, #tpu.memory_space<vmem>>) target_semaphore(%arg15 : memref<!tpu.dma_semaphore, #tpu.memory_space<semaphore_mem>>)
    %add3A_161 = arith.constant 32 : i32
    %add3A_162 = arith.addi %mul3A_2, %add3A_161 : i32
    %dma_wait3A_163 = arith.constant 0 : i32
    %dma_wait3A_164 = arith.constant 0 : i32
    %dma_wait3A_165 = tpu.memref_slice %arg2[%add3A_35, %dma_wait3A_163, %dma_wait3A_164] : memref<4096x16x128xf32, #tpu.memory_space<hbm>> -> memref<8x16x128xf32, #tpu.memory_space<hbm>>
    %dma_wait3A_166 = arith.constant 0 : i32
    %dma_wait3A_167 = arith.constant 0 : i32
    %dma_wait3A_168 = tpu.memref_slice %arg2[%add3A_35, %dma_wait3A_166, %dma_wait3A_167] : memref<4096x16x128xf32, #tpu.memory_space<hbm>> -> memref<8x16x128xf32, #tpu.memory_space<hbm>>
    tpu.wait_dma2 semaphore(%arg16 : memref<!tpu.dma_semaphore, #tpu.memory_space<semaphore_mem>>) src(%dma_wait3A_168 : memref<8x16x128xf32, #tpu.memory_space<hbm>>) dst(%arg10 : memref<8x16x128xf32, #tpu.memory_space<vmem>>)
    %dma_start3A_169 = arith.constant 0 : i32
    %dma_start3A_170 = arith.constant 0 : i32
    %dma_start3A_171 = tpu.memref_slice %arg4[%add3A_162, %dma_start3A_169, %dma_start3A_170] : memref<4096x16x128xf32, #tpu.memory_space<hbm>> -> memref<8x16x128xf32, #tpu.memory_space<hbm>>
    %dma_start3A_172 = arith.constant 0 : i32
    %dma_start3A_173 = arith.constant 0 : i32
    %dma_start3A_174 = tpu.memref_slice %arg4[%add3A_162, %dma_start3A_172, %dma_start3A_173] : memref<4096x16x128xf32, #tpu.memory_space<hbm>> -> memref<8x16x128xf32, #tpu.memory_space<hbm>>
    tpu.enqueue_dma source(%arg10 : memref<8x16x128xf32, #tpu.memory_space<vmem>>) target(%dma_start3A_174 : memref<8x16x128xf32, #tpu.memory_space<hbm>>) target_semaphore(%arg22 : memref<!tpu.dma_semaphore, #tpu.memory_space<semaphore_mem>>)
    %add3A_175 = arith.constant 80 : i32
    %add3A_176 = arith.addi %mul3A_2, %add3A_175 : i32
    %dma_wait3A_177 = arith.constant 0 : i32
    %dma_wait3A_178 = arith.constant 0 : i32
    %dma_wait3A_179 = tpu.memref_slice %arg4[%add3A_162, %dma_wait3A_177, %dma_wait3A_178] : memref<4096x16x128xf32, #tpu.memory_space<hbm>> -> memref<8x16x128xf32, #tpu.memory_space<hbm>>
    %dma_wait3A_180 = arith.constant 0 : i32
    %dma_wait3A_181 = arith.constant 0 : i32
    %dma_wait3A_182 = tpu.memref_slice %arg4[%add3A_162, %dma_wait3A_180, %dma_wait3A_181] : memref<4096x16x128xf32, #tpu.memory_space<hbm>> -> memref<8x16x128xf32, #tpu.memory_space<hbm>>
    tpu.wait_dma2 semaphore(%arg22 : memref<!tpu.dma_semaphore, #tpu.memory_space<semaphore_mem>>) src(%arg10 : memref<8x16x128xf32, #tpu.memory_space<vmem>>) dst(%dma_wait3A_182 : memref<8x16x128xf32, #tpu.memory_space<hbm>>)
    %dma_start3A_183 = arith.constant 0 : i32
    %dma_start3A_184 = arith.constant 0 : i32
    %dma_start3A_185 = tpu.memref_slice %arg2[%add3A_176, %dma_start3A_183, %dma_start3A_184] : memref<4096x16x128xf32, #tpu.memory_space<hbm>> -> memref<8x16x128xf32, #tpu.memory_space<hbm>>
    %dma_start3A_186 = arith.constant 0 : i32
    %dma_start3A_187 = arith.constant 0 : i32
    %dma_start3A_188 = tpu.memref_slice %arg2[%add3A_176, %dma_start3A_186, %dma_start3A_187] : memref<4096x16x128xf32, #tpu.memory_space<hbm>> -> memref<8x16x128xf32, #tpu.memory_space<hbm>>
    tpu.enqueue_dma source(%dma_start3A_188 : memref<8x16x128xf32, #tpu.memory_space<hbm>>) target(%arg10 : memref<8x16x128xf32, #tpu.memory_space<vmem>>) target_semaphore(%arg16 : memref<!tpu.dma_semaphore, #tpu.memory_space<semaphore_mem>>)
    %add3A_189 = arith.constant 40 : i32
    %add3A_190 = arith.addi %mul3A_2, %add3A_189 : i32
    %dma_wait3A_191 = arith.constant 0 : i32
    %dma_wait3A_192 = arith.constant 0 : i32
    %dma_wait3A_193 = tpu.memref_slice %arg2[%add3A_43, %dma_wait3A_191, %dma_wait3A_192] : memref<4096x16x128xf32, #tpu.memory_space<hbm>> -> memref<8x16x128xf32, #tpu.memory_space<hbm>>
    %dma_wait3A_194 = arith.constant 0 : i32
    %dma_wait3A_195 = arith.constant 0 : i32
    %dma_wait3A_196 = tpu.memref_slice %arg2[%add3A_43, %dma_wait3A_194, %dma_wait3A_195] : memref<4096x16x128xf32, #tpu.memory_space<hbm>> -> memref<8x16x128xf32, #tpu.memory_space<hbm>>
    tpu.wait_dma2 semaphore(%arg17 : memref<!tpu.dma_semaphore, #tpu.memory_space<semaphore_mem>>) src(%dma_wait3A_196 : memref<8x16x128xf32, #tpu.memory_space<hbm>>) dst(%arg11 : memref<8x16x128xf32, #tpu.memory_space<vmem>>)
    %dma_start3A_197 = arith.constant 0 : i32
    %dma_start3A_198 = arith.constant 0 : i32
    %dma_start3A_199 = tpu.memref_slice %arg4[%add3A_190, %dma_start3A_197, %dma_start3A_198] : memref<4096x16x128xf32, #tpu.memory_space<hbm>> -> memref<8x16x128xf32, #tpu.memory_space<hbm>>
    %dma_start3A_200 = arith.constant 0 : i32
    %dma_start3A_201 = arith.constant 0 : i32
    %dma_start3A_202 = tpu.memref_slice %arg4[%add3A_190, %dma_start3A_200, %dma_start3A_201] : memref<4096x16x128xf32, #tpu.memory_space<hbm>> -> memref<8x16x128xf32, #tpu.memory_space<hbm>>
    tpu.enqueue_dma source(%arg11 : memref<8x16x128xf32, #tpu.memory_space<vmem>>) target(%dma_start3A_202 : memref<8x16x128xf32, #tpu.memory_space<hbm>>) target_semaphore(%arg23 : memref<!tpu.dma_semaphore, #tpu.memory_space<semaphore_mem>>)
    %add3A_203 = arith.constant 88 : i32
    %add3A_204 = arith.addi %mul3A_2, %add3A_203 : i32
    %dma_wait3A_205 = arith.constant 0 : i32
    %dma_wait3A_206 = arith.constant 0 : i32
    %dma_wait3A_207 = tpu.memref_slice %arg4[%add3A_190, %dma_wait3A_205, %dma_wait3A_206] : memref<4096x16x128xf32, #tpu.memory_space<hbm>> -> memref<8x16x128xf32, #tpu.memory_space<hbm>>
    %dma_wait3A_208 = arith.constant 0 : i32
    %dma_wait3A_209 = arith.constant 0 : i32
    %dma_wait3A_210 = tpu.memref_slice %arg4[%add3A_190, %dma_wait3A_208, %dma_wait3A_209] : memref<4096x16x128xf32, #tpu.memory_space<hbm>> -> memref<8x16x128xf32, #tpu.memory_space<hbm>>
    tpu.wait_dma2 semaphore(%arg23 : memref<!tpu.dma_semaphore, #tpu.memory_space<semaphore_mem>>) src(%arg11 : memref<8x16x128xf32, #tpu.memory_space<vmem>>) dst(%dma_wait3A_210 : memref<8x16x128xf32, #tpu.memory_space<hbm>>)
    %dma_start3A_211 = arith.constant 0 : i32
    %dma_start3A_212 = arith.constant 0 : i32
    %dma_start3A_213 = tpu.memref_slice %arg2[%add3A_204, %dma_start3A_211, %dma_start3A_212] : memref<4096x16x128xf32, #tpu.memory_space<hbm>> -> memref<8x16x128xf32, #tpu.memory_space<hbm>>
    %dma_start3A_214 = arith.constant 0 : i32
    %dma_start3A_215 = arith.constant 0 : i32
    %dma_start3A_216 = tpu.memref_slice %arg2[%add3A_204, %dma_start3A_214, %dma_start3A_215] : memref<4096x16x128xf32, #tpu.memory_space<hbm>> -> memref<8x16x128xf32, #tpu.memory_space<hbm>>
    tpu.enqueue_dma source(%dma_start3A_216 : memref<8x16x128xf32, #tpu.memory_space<hbm>>) target(%arg11 : memref<8x16x128xf32, #tpu.memory_space<vmem>>) target_semaphore(%arg17 : memref<!tpu.dma_semaphore, #tpu.memory_space<semaphore_mem>>)
    %add3A_217 = arith.constant 48 : i32
    %add3A_218 = arith.addi %mul3A_2, %add3A_217 : i32
    %dma_wait3A_219 = arith.constant 0 : i32
    %dma_wait3A_220 = arith.constant 0 : i32
    %dma_wait3A_221 = tpu.memref_slice %arg2[%add3A_64, %dma_wait3A_219, %dma_wait3A_220] : memref<4096x16x128xf32, #tpu.memory_space<hbm>> -> memref<8x16x128xf32, #tpu.memory_space<hbm>>
    %dma_wait3A_222 = arith.constant 0 : i32
    %dma_wait3A_223 = arith.constant 0 : i32
    %dma_wait3A_224 = tpu.memref_slice %arg2[%add3A_64, %dma_wait3A_222, %dma_wait3A_223] : memref<4096x16x128xf32, #tpu.memory_space<hbm>> -> memref<8x16x128xf32, #tpu.memory_space<hbm>>
    tpu.wait_dma2 semaphore(%arg12 : memref<!tpu.dma_semaphore, #tpu.memory_space<semaphore_mem>>) src(%dma_wait3A_224 : memref<8x16x128xf32, #tpu.memory_space<hbm>>) dst(%arg6 : memref<8x16x128xf32, #tpu.memory_space<vmem>>)
    %dma_start3A_225 = arith.constant 0 : i32
    %dma_start3A_226 = arith.constant 0 : i32
    %dma_start3A_227 = tpu.memref_slice %arg4[%add3A_218, %dma_start3A_225, %dma_start3A_226] : memref<4096x16x128xf32, #tpu.memory_space<hbm>> -> memref<8x16x128xf32, #tpu.memory_space<hbm>>
    %dma_start3A_228 = arith.constant 0 : i32
    %dma_start3A_229 = arith.constant 0 : i32
    %dma_start3A_230 = tpu.memref_slice %arg4[%add3A_218, %dma_start3A_228, %dma_start3A_229] : memref<4096x16x128xf32, #tpu.memory_space<hbm>> -> memref<8x16x128xf32, #tpu.memory_space<hbm>>
    tpu.enqueue_dma source(%arg6 : memref<8x16x128xf32, #tpu.memory_space<vmem>>) target(%dma_start3A_230 : memref<8x16x128xf32, #tpu.memory_space<hbm>>) target_semaphore(%arg18 : memref<!tpu.dma_semaphore, #tpu.memory_space<semaphore_mem>>)
    %add3A_231 = arith.constant 96 : i32
    %add3A_232 = arith.addi %mul3A_2, %add3A_231 : i32
    %dma_wait3A_233 = arith.constant 0 : i32
    %dma_wait3A_234 = arith.constant 0 : i32
    %dma_wait3A_235 = tpu.memref_slice %arg4[%add3A_218, %dma_wait3A_233, %dma_wait3A_234] : memref<4096x16x128xf32, #tpu.memory_space<hbm>> -> memref<8x16x128xf32, #tpu.memory_space<hbm>>
    %dma_wait3A_236 = arith.constant 0 : i32
    %dma_wait3A_237 = arith.constant 0 : i32
    %dma_wait3A_238 = tpu.memref_slice %arg4[%add3A_218, %dma_wait3A_236, %dma_wait3A_237] : memref<4096x16x128xf32, #tpu.memory_space<hbm>> -> memref<8x16x128xf32, #tpu.memory_space<hbm>>
    tpu.wait_dma2 semaphore(%arg18 : memref<!tpu.dma_semaphore, #tpu.memory_space<semaphore_mem>>) src(%arg6 : memref<8x16x128xf32, #tpu.memory_space<vmem>>) dst(%dma_wait3A_238 : memref<8x16x128xf32, #tpu.memory_space<hbm>>)
    %dma_start3A_239 = arith.constant 0 : i32
    %dma_start3A_240 = arith.constant 0 : i32
    %dma_start3A_241 = tpu.memref_slice %arg2[%add3A_232, %dma_start3A_239, %dma_start3A_240] : memref<4096x16x128xf32, #tpu.memory_space<hbm>> -> memref<8x16x128xf32, #tpu.memory_space<hbm>>
    %dma_start3A_242 = arith.constant 0 : i32
    %dma_start3A_243 = arith.constant 0 : i32
    %dma_start3A_244 = tpu.memref_slice %arg2[%add3A_232, %dma_start3A_242, %dma_start3A_243] : memref<4096x16x128xf32, #tpu.memory_space<hbm>> -> memref<8x16x128xf32, #tpu.memory_space<hbm>>
    tpu.enqueue_dma source(%dma_start3A_244 : memref<8x16x128xf32, #tpu.memory_space<hbm>>) target(%arg6 : memref<8x16x128xf32, #tpu.memory_space<vmem>>) target_semaphore(%arg12 : memref<!tpu.dma_semaphore, #tpu.memory_space<semaphore_mem>>)
    %add3A_245 = arith.constant 56 : i32
    %add3A_246 = arith.addi %mul3A_2, %add3A_245 : i32
    %dma_wait3A_247 = arith.constant 0 : i32
    %dma_wait3A_248 = arith.constant 0 : i32
    %dma_wait3A_249 = tpu.memref_slice %arg2[%add3A_92, %dma_wait3A_247, %dma_wait3A_248] : memref<4096x16x128xf32, #tpu.memory_space<hbm>> -> memref<8x16x128xf32, #tpu.memory_space<hbm>>
    %dma_wait3A_250 = arith.constant 0 : i32
    %dma_wait3A_251 = arith.constant 0 : i32
    %dma_wait3A_252 = tpu.memref_slice %arg2[%add3A_92, %dma_wait3A_250, %dma_wait3A_251] : memref<4096x16x128xf32, #tpu.memory_space<hbm>> -> memref<8x16x128xf32, #tpu.memory_space<hbm>>
    tpu.wait_dma2 semaphore(%arg13 : memref<!tpu.dma_semaphore, #tpu.memory_space<semaphore_mem>>) src(%dma_wait3A_252 : memref<8x16x128xf32, #tpu.memory_space<hbm>>) dst(%arg7 : memref<8x16x128xf32, #tpu.memory_space<vmem>>)
    %dma_start3A_253 = arith.constant 0 : i32
    %dma_start3A_254 = arith.constant 0 : i32
    %dma_start3A_255 = tpu.memref_slice %arg4[%add3A_246, %dma_start3A_253, %dma_start3A_254] : memref<4096x16x128xf32, #tpu.memory_space<hbm>> -> memref<8x16x128xf32, #tpu.memory_space<hbm>>
    %dma_start3A_256 = arith.constant 0 : i32
    %dma_start3A_257 = arith.constant 0 : i32
    %dma_start3A_258 = tpu.memref_slice %arg4[%add3A_246, %dma_start3A_256, %dma_start3A_257] : memref<4096x16x128xf32, #tpu.memory_space<hbm>> -> memref<8x16x128xf32, #tpu.memory_space<hbm>>
    tpu.enqueue_dma source(%arg7 : memref<8x16x128xf32, #tpu.memory_space<vmem>>) target(%dma_start3A_258 : memref<8x16x128xf32, #tpu.memory_space<hbm>>) target_semaphore(%arg19 : memref<!tpu.dma_semaphore, #tpu.memory_space<semaphore_mem>>)
    %add3A_259 = arith.constant 104 : i32
    %add3A_260 = arith.addi %mul3A_2, %add3A_259 : i32
    %dma_wait3A_261 = arith.constant 0 : i32
    %dma_wait3A_262 = arith.constant 0 : i32
    %dma_wait3A_263 = tpu.memref_slice %arg4[%add3A_246, %dma_wait3A_261, %dma_wait3A_262] : memref<4096x16x128xf32, #tpu.memory_space<hbm>> -> memref<8x16x128xf32, #tpu.memory_space<hbm>>
    %dma_wait3A_264 = arith.constant 0 : i32
    %dma_wait3A_265 = arith.constant 0 : i32
    %dma_wait3A_266 = tpu.memref_slice %arg4[%add3A_246, %dma_wait3A_264, %dma_wait3A_265] : memref<4096x16x128xf32, #tpu.memory_space<hbm>> -> memref<8x16x128xf32, #tpu.memory_space<hbm>>
    tpu.wait_dma2 semaphore(%arg19 : memref<!tpu.dma_semaphore, #tpu.memory_space<semaphore_mem>>) src(%arg7 : memref<8x16x128xf32, #tpu.memory_space<vmem>>) dst(%dma_wait3A_266 : memref<8x16x128xf32, #tpu.memory_space<hbm>>)
    %dma_start3A_267 = arith.constant 0 : i32
    %dma_start3A_268 = arith.constant 0 : i32
    %dma_start3A_269 = tpu.memref_slice %arg2[%add3A_260, %dma_start3A_267, %dma_start3A_268] : memref<4096x16x128xf32, #tpu.memory_space<hbm>> -> memref<8x16x128xf32, #tpu.memory_space<hbm>>
    %dma_start3A_270 = arith.constant 0 : i32
    %dma_start3A_271 = arith.constant 0 : i32
    %dma_start3A_272 = tpu.memref_slice %arg2[%add3A_260, %dma_start3A_270, %dma_start3A_271] : memref<4096x16x128xf32, #tpu.memory_space<hbm>> -> memref<8x16x128xf32, #tpu.memory_space<hbm>>
    tpu.enqueue_dma source(%dma_start3A_272 : memref<8x16x128xf32, #tpu.memory_space<hbm>>) target(%arg7 : memref<8x16x128xf32, #tpu.memory_space<vmem>>) target_semaphore(%arg13 : memref<!tpu.dma_semaphore, #tpu.memory_space<semaphore_mem>>)
    %add3A_273 = arith.constant 64 : i32
    %add3A_274 = arith.addi %mul3A_2, %add3A_273 : i32
    %dma_wait3A_275 = arith.constant 0 : i32
    %dma_wait3A_276 = arith.constant 0 : i32
    %dma_wait3A_277 = tpu.memref_slice %arg2[%add3A_120, %dma_wait3A_275, %dma_wait3A_276] : memref<4096x16x128xf32, #tpu.memory_space<hbm>> -> memref<8x16x128xf32, #tpu.memory_space<hbm>>
    %dma_wait3A_278 = arith.constant 0 : i32
    %dma_wait3A_279 = arith.constant 0 : i32
    %dma_wait3A_280 = tpu.memref_slice %arg2[%add3A_120, %dma_wait3A_278, %dma_wait3A_279] : memref<4096x16x128xf32, #tpu.memory_space<hbm>> -> memref<8x16x128xf32, #tpu.memory_space<hbm>>
    tpu.wait_dma2 semaphore(%arg14 : memref<!tpu.dma_semaphore, #tpu.memory_space<semaphore_mem>>) src(%dma_wait3A_280 : memref<8x16x128xf32, #tpu.memory_space<hbm>>) dst(%arg8 : memref<8x16x128xf32, #tpu.memory_space<vmem>>)
    %dma_start3A_281 = arith.constant 0 : i32
    %dma_start3A_282 = arith.constant 0 : i32
    %dma_start3A_283 = tpu.memref_slice %arg4[%add3A_274, %dma_start3A_281, %dma_start3A_282] : memref<4096x16x128xf32, #tpu.memory_space<hbm>> -> memref<8x16x128xf32, #tpu.memory_space<hbm>>
    %dma_start3A_284 = arith.constant 0 : i32
    %dma_start3A_285 = arith.constant 0 : i32
    %dma_start3A_286 = tpu.memref_slice %arg4[%add3A_274, %dma_start3A_284, %dma_start3A_285] : memref<4096x16x128xf32, #tpu.memory_space<hbm>> -> memref<8x16x128xf32, #tpu.memory_space<hbm>>
    tpu.enqueue_dma source(%arg8 : memref<8x16x128xf32, #tpu.memory_space<vmem>>) target(%dma_start3A_286 : memref<8x16x128xf32, #tpu.memory_space<hbm>>) target_semaphore(%arg20 : memref<!tpu.dma_semaphore, #tpu.memory_space<semaphore_mem>>)
    %add3A_287 = arith.constant 112 : i32
    %add3A_288 = arith.addi %mul3A_2, %add3A_287 : i32
    %dma_wait3A_289 = arith.constant 0 : i32
    %dma_wait3A_290 = arith.constant 0 : i32
    %dma_wait3A_291 = tpu.memref_slice %arg4[%add3A_274, %dma_wait3A_289, %dma_wait3A_290] : memref<4096x16x128xf32, #tpu.memory_space<hbm>> -> memref<8x16x128xf32, #tpu.memory_space<hbm>>
    %dma_wait3A_292 = arith.constant 0 : i32
    %dma_wait3A_293 = arith.constant 0 : i32
    %dma_wait3A_294 = tpu.memref_slice %arg4[%add3A_274, %dma_wait3A_292, %dma_wait3A_293] : memref<4096x16x128xf32, #tpu.memory_space<hbm>> -> memref<8x16x128xf32, #tpu.memory_space<hbm>>
    tpu.wait_dma2 semaphore(%arg20 : memref<!tpu.dma_semaphore, #tpu.memory_space<semaphore_mem>>) src(%arg8 : memref<8x16x128xf32, #tpu.memory_space<vmem>>) dst(%dma_wait3A_294 : memref<8x16x128xf32, #tpu.memory_space<hbm>>)
    %dma_start3A_295 = arith.constant 0 : i32
    %dma_start3A_296 = arith.constant 0 : i32
    %dma_start3A_297 = tpu.memref_slice %arg2[%add3A_288, %dma_start3A_295, %dma_start3A_296] : memref<4096x16x128xf32, #tpu.memory_space<hbm>> -> memref<8x16x128xf32, #tpu.memory_space<hbm>>
    %dma_start3A_298 = arith.constant 0 : i32
    %dma_start3A_299 = arith.constant 0 : i32
    %dma_start3A_300 = tpu.memref_slice %arg2[%add3A_288, %dma_start3A_298, %dma_start3A_299] : memref<4096x16x128xf32, #tpu.memory_space<hbm>> -> memref<8x16x128xf32, #tpu.memory_space<hbm>>
    tpu.enqueue_dma source(%dma_start3A_300 : memref<8x16x128xf32, #tpu.memory_space<hbm>>) target(%arg8 : memref<8x16x128xf32, #tpu.memory_space<vmem>>) target_semaphore(%arg14 : memref<!tpu.dma_semaphore, #tpu.memory_space<semaphore_mem>>)
    %add3A_301 = arith.constant 72 : i32
    %add3A_302 = arith.addi %mul3A_2, %add3A_301 : i32
    %dma_wait3A_303 = arith.constant 0 : i32
    %dma_wait3A_304 = arith.constant 0 : i32
    %dma_wait3A_305 = tpu.memref_slice %arg2[%add3A_148, %dma_wait3A_303, %dma_wait3A_304] : memref<4096x16x128xf32, #tpu.memory_space<hbm>> -> memref<8x16x128xf32, #tpu.memory_space<hbm>>
    %dma_wait3A_306 = arith.constant 0 : i32
    %dma_wait3A_307 = arith.constant 0 : i32
    %dma_wait3A_308 = tpu.memref_slice %arg2[%add3A_148, %dma_wait3A_306, %dma_wait3A_307] : memref<4096x16x128xf32, #tpu.memory_space<hbm>> -> memref<8x16x128xf32, #tpu.memory_space<hbm>>
    tpu.wait_dma2 semaphore(%arg15 : memref<!tpu.dma_semaphore, #tpu.memory_space<semaphore_mem>>) src(%dma_wait3A_308 : memref<8x16x128xf32, #tpu.memory_space<hbm>>) dst(%arg9 : memref<8x16x128xf32, #tpu.memory_space<vmem>>)
    %dma_start3A_309 = arith.constant 0 : i32
    %dma_start3A_310 = arith.constant 0 : i32
    %dma_start3A_311 = tpu.memref_slice %arg4[%add3A_302, %dma_start3A_309, %dma_start3A_310] : memref<4096x16x128xf32, #tpu.memory_space<hbm>> -> memref<8x16x128xf32, #tpu.memory_space<hbm>>
    %dma_start3A_312 = arith.constant 0 : i32
    %dma_start3A_313 = arith.constant 0 : i32
    %dma_start3A_314 = tpu.memref_slice %arg4[%add3A_302, %dma_start3A_312, %dma_start3A_313] : memref<4096x16x128xf32, #tpu.memory_space<hbm>> -> memref<8x16x128xf32, #tpu.memory_space<hbm>>
    tpu.enqueue_dma source(%arg9 : memref<8x16x128xf32, #tpu.memory_space<vmem>>) target(%dma_start3A_314 : memref<8x16x128xf32, #tpu.memory_space<hbm>>) target_semaphore(%arg21 : memref<!tpu.dma_semaphore, #tpu.memory_space<semaphore_mem>>)
    %add3A_315 = arith.constant 120 : i32
    %add3A_316 = arith.addi %mul3A_2, %add3A_315 : i32
    %dma_wait3A_317 = arith.constant 0 : i32
    %dma_wait3A_318 = arith.constant 0 : i32
    %dma_wait3A_319 = tpu.memref_slice %arg4[%add3A_302, %dma_wait3A_317, %dma_wait3A_318] : memref<4096x16x128xf32, #tpu.memory_space<hbm>> -> memref<8x16x128xf32, #tpu.memory_space<hbm>>
    %dma_wait3A_320 = arith.constant 0 : i32
    %dma_wait3A_321 = arith.constant 0 : i32
    %dma_wait3A_322 = tpu.memref_slice %arg4[%add3A_302, %dma_wait3A_320, %dma_wait3A_321] : memref<4096x16x128xf32, #tpu.memory_space<hbm>> -> memref<8x16x128xf32, #tpu.memory_space<hbm>>
    tpu.wait_dma2 semaphore(%arg21 : memref<!tpu.dma_semaphore, #tpu.memory_space<semaphore_mem>>) src(%arg9 : memref<8x16x128xf32, #tpu.memory_space<vmem>>) dst(%dma_wait3A_322 : memref<8x16x128xf32, #tpu.memory_space<hbm>>)
    %dma_start3A_323 = arith.constant 0 : i32
    %dma_start3A_324 = arith.constant 0 : i32
    %dma_start3A_325 = tpu.memref_slice %arg2[%add3A_316, %dma_start3A_323, %dma_start3A_324] : memref<4096x16x128xf32, #tpu.memory_space<hbm>> -> memref<8x16x128xf32, #tpu.memory_space<hbm>>
    %dma_start3A_326 = arith.constant 0 : i32
    %dma_start3A_327 = arith.constant 0 : i32
    %dma_start3A_328 = tpu.memref_slice %arg2[%add3A_316, %dma_start3A_326, %dma_start3A_327] : memref<4096x16x128xf32, #tpu.memory_space<hbm>> -> memref<8x16x128xf32, #tpu.memory_space<hbm>>
    tpu.enqueue_dma source(%dma_start3A_328 : memref<8x16x128xf32, #tpu.memory_space<hbm>>) target(%arg9 : memref<8x16x128xf32, #tpu.memory_space<vmem>>) target_semaphore(%arg15 : memref<!tpu.dma_semaphore, #tpu.memory_space<semaphore_mem>>)
    %add3A_329 = arith.constant 80 : i32
    %add3A_330 = arith.addi %mul3A_2, %add3A_329 : i32
    %dma_wait3A_331 = arith.constant 0 : i32
    %dma_wait3A_332 = arith.constant 0 : i32
    %dma_wait3A_333 = tpu.memref_slice %arg2[%add3A_176, %dma_wait3A_331, %dma_wait3A_332] : memref<4096x16x128xf32, #tpu.memory_space<hbm>> -> memref<8x16x128xf32, #tpu.memory_space<hbm>>
    %dma_wait3A_334 = arith.constant 0 : i32
    %dma_wait3A_335 = arith.constant 0 : i32
    %dma_wait3A_336 = tpu.memref_slice %arg2[%add3A_176, %dma_wait3A_334, %dma_wait3A_335] : memref<4096x16x128xf32, #tpu.memory_space<hbm>> -> memref<8x16x128xf32, #tpu.memory_space<hbm>>
    tpu.wait_dma2 semaphore(%arg16 : memref<!tpu.dma_semaphore, #tpu.memory_space<semaphore_mem>>) src(%dma_wait3A_336 : memref<8x16x128xf32, #tpu.memory_space<hbm>>) dst(%arg10 : memref<8x16x128xf32, #tpu.memory_space<vmem>>)
    %dma_start3A_337 = arith.constant 0 : i32
    %dma_start3A_338 = arith.constant 0 : i32
    %dma_start3A_339 = tpu.memref_slice %arg4[%add3A_330, %dma_start3A_337, %dma_start3A_338] : memref<4096x16x128xf32, #tpu.memory_space<hbm>> -> memref<8x16x128xf32, #tpu.memory_space<hbm>>
    %dma_start3A_340 = arith.constant 0 : i32
    %dma_start3A_341 = arith.constant 0 : i32
    %dma_start3A_342 = tpu.memref_slice %arg4[%add3A_330, %dma_start3A_340, %dma_start3A_341] : memref<4096x16x128xf32, #tpu.memory_space<hbm>> -> memref<8x16x128xf32, #tpu.memory_space<hbm>>
    tpu.enqueue_dma source(%arg10 : memref<8x16x128xf32, #tpu.memory_space<vmem>>) target(%dma_start3A_342 : memref<8x16x128xf32, #tpu.memory_space<hbm>>) target_semaphore(%arg22 : memref<!tpu.dma_semaphore, #tpu.memory_space<semaphore_mem>>)
    %add3A_343 = arith.constant 0 : i32
    %add3A_344 = arith.addi %mul3A_2, %add3A_343 : i32
    %dma_wait3A_345 = arith.constant 0 : i32
    %dma_wait3A_346 = arith.constant 0 : i32
    %dma_wait3A_347 = tpu.memref_slice %arg4[%add3A_330, %dma_wait3A_345, %dma_wait3A_346] : memref<4096x16x128xf32, #tpu.memory_space<hbm>> -> memref<8x16x128xf32, #tpu.memory_space<hbm>>
    %dma_wait3A_348 = arith.constant 0 : i32
    %dma_wait3A_349 = arith.constant 0 : i32
    %dma_wait3A_350 = tpu.memref_slice %arg4[%add3A_330, %dma_wait3A_348, %dma_wait3A_349] : memref<4096x16x128xf32, #tpu.memory_space<hbm>> -> memref<8x16x128xf32, #tpu.memory_space<hbm>>
    tpu.wait_dma2 semaphore(%arg22 : memref<!tpu.dma_semaphore, #tpu.memory_space<semaphore_mem>>) src(%arg10 : memref<8x16x128xf32, #tpu.memory_space<vmem>>) dst(%dma_wait3A_350 : memref<8x16x128xf32, #tpu.memory_space<hbm>>)
    %dma_start3A_351 = arith.constant 0 : i32
    %dma_start3A_352 = arith.constant 0 : i32
    %dma_start3A_353 = tpu.memref_slice %arg3[%add3A_344, %dma_start3A_351, %dma_start3A_352] : memref<4096x16x128xf32, #tpu.memory_space<hbm>> -> memref<8x16x128xf32, #tpu.memory_space<hbm>>
    %dma_start3A_354 = arith.constant 0 : i32
    %dma_start3A_355 = arith.constant 0 : i32
    %dma_start3A_356 = tpu.memref_slice %arg3[%add3A_344, %dma_start3A_354, %dma_start3A_355] : memref<4096x16x128xf32, #tpu.memory_space<hbm>> -> memref<8x16x128xf32, #tpu.memory_space<hbm>>
    tpu.enqueue_dma source(%dma_start3A_356 : memref<8x16x128xf32, #tpu.memory_space<hbm>>) target(%arg10 : memref<8x16x128xf32, #tpu.memory_space<vmem>>) target_semaphore(%arg16 : memref<!tpu.dma_semaphore, #tpu.memory_space<semaphore_mem>>)
    %add3A_357 = arith.constant 88 : i32
    %add3A_358 = arith.addi %mul3A_2, %add3A_357 : i32
    %dma_wait3A_359 = arith.constant 0 : i32
    %dma_wait3A_360 = arith.constant 0 : i32
    %dma_wait3A_361 = tpu.memref_slice %arg2[%add3A_204, %dma_wait3A_359, %dma_wait3A_360] : memref<4096x16x128xf32, #tpu.memory_space<hbm>> -> memref<8x16x128xf32, #tpu.memory_space<hbm>>
    %dma_wait3A_362 = arith.constant 0 : i32
    %dma_wait3A_363 = arith.constant 0 : i32
    %dma_wait3A_364 = tpu.memref_slice %arg2[%add3A_204, %dma_wait3A_362, %dma_wait3A_363] : memref<4096x16x128xf32, #tpu.memory_space<hbm>> -> memref<8x16x128xf32, #tpu.memory_space<hbm>>
    tpu.wait_dma2 semaphore(%arg17 : memref<!tpu.dma_semaphore, #tpu.memory_space<semaphore_mem>>) src(%dma_wait3A_364 : memref<8x16x128xf32, #tpu.memory_space<hbm>>) dst(%arg11 : memref<8x16x128xf32, #tpu.memory_space<vmem>>)
    %dma_start3A_365 = arith.constant 0 : i32
    %dma_start3A_366 = arith.constant 0 : i32
    %dma_start3A_367 = tpu.memref_slice %arg4[%add3A_358, %dma_start3A_365, %dma_start3A_366] : memref<4096x16x128xf32, #tpu.memory_space<hbm>> -> memref<8x16x128xf32, #tpu.memory_space<hbm>>
    %dma_start3A_368 = arith.constant 0 : i32
    %dma_start3A_369 = arith.constant 0 : i32
    %dma_start3A_370 = tpu.memref_slice %arg4[%add3A_358, %dma_start3A_368, %dma_start3A_369] : memref<4096x16x128xf32, #tpu.memory_space<hbm>> -> memref<8x16x128xf32, #tpu.memory_space<hbm>>
    tpu.enqueue_dma source(%arg11 : memref<8x16x128xf32, #tpu.memory_space<vmem>>) target(%dma_start3A_370 : memref<8x16x128xf32, #tpu.memory_space<hbm>>) target_semaphore(%arg23 : memref<!tpu.dma_semaphore, #tpu.memory_space<semaphore_mem>>)
    %add3A_371 = arith.constant 8 : i32
    %add3A_372 = arith.addi %mul3A_2, %add3A_371 : i32
    %dma_wait3A_373 = arith.constant 0 : i32
    %dma_wait3A_374 = arith.constant 0 : i32
    %dma_wait3A_375 = tpu.memref_slice %arg4[%add3A_358, %dma_wait3A_373, %dma_wait3A_374] : memref<4096x16x128xf32, #tpu.memory_space<hbm>> -> memref<8x16x128xf32, #tpu.memory_space<hbm>>
    %dma_wait3A_376 = arith.constant 0 : i32
    %dma_wait3A_377 = arith.constant 0 : i32
    %dma_wait3A_378 = tpu.memref_slice %arg4[%add3A_358, %dma_wait3A_376, %dma_wait3A_377] : memref<4096x16x128xf32, #tpu.memory_space<hbm>> -> memref<8x16x128xf32, #tpu.memory_space<hbm>>
    tpu.wait_dma2 semaphore(%arg23 : memref<!tpu.dma_semaphore, #tpu.memory_space<semaphore_mem>>) src(%arg11 : memref<8x16x128xf32, #tpu.memory_space<vmem>>) dst(%dma_wait3A_378 : memref<8x16x128xf32, #tpu.memory_space<hbm>>)
    %dma_start3A_379 = arith.constant 0 : i32
    %dma_start3A_380 = arith.constant 0 : i32
    %dma_start3A_381 = tpu.memref_slice %arg3[%add3A_372, %dma_start3A_379, %dma_start3A_380] : memref<4096x16x128xf32, #tpu.memory_space<hbm>> -> memref<8x16x128xf32, #tpu.memory_space<hbm>>
    %dma_start3A_382 = arith.constant 0 : i32
    %dma_start3A_383 = arith.constant 0 : i32
    %dma_start3A_384 = tpu.memref_slice %arg3[%add3A_372, %dma_start3A_382, %dma_start3A_383] : memref<4096x16x128xf32, #tpu.memory_space<hbm>> -> memref<8x16x128xf32, #tpu.memory_space<hbm>>
    tpu.enqueue_dma source(%dma_start3A_384 : memref<8x16x128xf32, #tpu.memory_space<hbm>>) target(%arg11 : memref<8x16x128xf32, #tpu.memory_space<vmem>>) target_semaphore(%arg17 : memref<!tpu.dma_semaphore, #tpu.memory_space<semaphore_mem>>)
    %add3A_385 = arith.constant 96 : i32
    %add3A_386 = arith.addi %mul3A_2, %add3A_385 : i32
    %dma_wait3A_387 = arith.constant 0 : i32
    %dma_wait3A_388 = arith.constant 0 : i32
    %dma_wait3A_389 = tpu.memref_slice %arg2[%add3A_232, %dma_wait3A_387, %dma_wait3A_388] : memref<4096x16x128xf32, #tpu.memory_space<hbm>> -> memref<8x16x128xf32, #tpu.memory_space<hbm>>
    %dma_wait3A_390 = arith.constant 0 : i32
    %dma_wait3A_391 = arith.constant 0 : i32
    %dma_wait3A_392 = tpu.memref_slice %arg2[%add3A_232, %dma_wait3A_390, %dma_wait3A_391] : memref<4096x16x128xf32, #tpu.memory_space<hbm>> -> memref<8x16x128xf32, #tpu.memory_space<hbm>>
    tpu.wait_dma2 semaphore(%arg12 : memref<!tpu.dma_semaphore, #tpu.memory_space<semaphore_mem>>) src(%dma_wait3A_392 : memref<8x16x128xf32, #tpu.memory_space<hbm>>) dst(%arg6 : memref<8x16x128xf32, #tpu.memory_space<vmem>>)
    %dma_start3A_393 = arith.constant 0 : i32
    %dma_start3A_394 = arith.constant 0 : i32
    %dma_start3A_395 = tpu.memref_slice %arg4[%add3A_386, %dma_start3A_393, %dma_start3A_394] : memref<4096x16x128xf32, #tpu.memory_space<hbm>> -> memref<8x16x128xf32, #tpu.memory_space<hbm>>
    %dma_start3A_396 = arith.constant 0 : i32
    %dma_start3A_397 = arith.constant 0 : i32
    %dma_start3A_398 = tpu.memref_slice %arg4[%add3A_386, %dma_start3A_396, %dma_start3A_397] : memref<4096x16x128xf32, #tpu.memory_space<hbm>> -> memref<8x16x128xf32, #tpu.memory_space<hbm>>
    tpu.enqueue_dma source(%arg6 : memref<8x16x128xf32, #tpu.memory_space<vmem>>) target(%dma_start3A_398 : memref<8x16x128xf32, #tpu.memory_space<hbm>>) target_semaphore(%arg18 : memref<!tpu.dma_semaphore, #tpu.memory_space<semaphore_mem>>)
    %add3A_399 = arith.constant 16 : i32
    %add3A_400 = arith.addi %mul3A_2, %add3A_399 : i32
    %dma_wait3A_401 = arith.constant 0 : i32
    %dma_wait3A_402 = arith.constant 0 : i32
    %dma_wait3A_403 = tpu.memref_slice %arg4[%add3A_386, %dma_wait3A_401, %dma_wait3A_402] : memref<4096x16x128xf32, #tpu.memory_space<hbm>> -> memref<8x16x128xf32, #tpu.memory_space<hbm>>
    %dma_wait3A_404 = arith.constant 0 : i32
    %dma_wait3A_405 = arith.constant 0 : i32
    %dma_wait3A_406 = tpu.memref_slice %arg4[%add3A_386, %dma_wait3A_404, %dma_wait3A_405] : memref<4096x16x128xf32, #tpu.memory_space<hbm>> -> memref<8x16x128xf32, #tpu.memory_space<hbm>>
    tpu.wait_dma2 semaphore(%arg18 : memref<!tpu.dma_semaphore, #tpu.memory_space<semaphore_mem>>) src(%arg6 : memref<8x16x128xf32, #tpu.memory_space<vmem>>) dst(%dma_wait3A_406 : memref<8x16x128xf32, #tpu.memory_space<hbm>>)
    %dma_start3A_407 = arith.constant 0 : i32
    %dma_start3A_408 = arith.constant 0 : i32
    %dma_start3A_409 = tpu.memref_slice %arg3[%add3A_400, %dma_start3A_407, %dma_start3A_408] : memref<4096x16x128xf32, #tpu.memory_space<hbm>> -> memref<8x16x128xf32, #tpu.memory_space<hbm>>
    %dma_start3A_410 = arith.constant 0 : i32
    %dma_start3A_411 = arith.constant 0 : i32
    %dma_start3A_412 = tpu.memref_slice %arg3[%add3A_400, %dma_start3A_410, %dma_start3A_411] : memref<4096x16x128xf32, #tpu.memory_space<hbm>> -> memref<8x16x128xf32, #tpu.memory_space<hbm>>
    tpu.enqueue_dma source(%dma_start3A_412 : memref<8x16x128xf32, #tpu.memory_space<hbm>>) target(%arg6 : memref<8x16x128xf32, #tpu.memory_space<vmem>>) target_semaphore(%arg12 : memref<!tpu.dma_semaphore, #tpu.memory_space<semaphore_mem>>)
    %add3A_413 = arith.constant 104 : i32
    %add3A_414 = arith.addi %mul3A_2, %add3A_413 : i32
    %dma_wait3A_415 = arith.constant 0 : i32
    %dma_wait3A_416 = arith.constant 0 : i32
    %dma_wait3A_417 = tpu.memref_slice %arg2[%add3A_260, %dma_wait3A_415, %dma_wait3A_416] : memref<4096x16x128xf32, #tpu.memory_space<hbm>> -> memref<8x16x128xf32, #tpu.memory_space<hbm>>
    %dma_wait3A_418 = arith.constant 0 : i32
    %dma_wait3A_419 = arith.constant 0 : i32
    %dma_wait3A_420 = tpu.memref_slice %arg2[%add3A_260, %dma_wait3A_418, %dma_wait3A_419] : memref<4096x16x128xf32, #tpu.memory_space<hbm>> -> memref<8x16x128xf32, #tpu.memory_space<hbm>>
    tpu.wait_dma2 semaphore(%arg13 : memref<!tpu.dma_semaphore, #tpu.memory_space<semaphore_mem>>) src(%dma_wait3A_420 : memref<8x16x128xf32, #tpu.memory_space<hbm>>) dst(%arg7 : memref<8x16x128xf32, #tpu.memory_space<vmem>>)
    %dma_start3A_421 = arith.constant 0 : i32
    %dma_start3A_422 = arith.constant 0 : i32
    %dma_start3A_423 = tpu.memref_slice %arg4[%add3A_414, %dma_start3A_421, %dma_start3A_422] : memref<4096x16x128xf32, #tpu.memory_space<hbm>> -> memref<8x16x128xf32, #tpu.memory_space<hbm>>
    %dma_start3A_424 = arith.constant 0 : i32
    %dma_start3A_425 = arith.constant 0 : i32
    %dma_start3A_426 = tpu.memref_slice %arg4[%add3A_414, %dma_start3A_424, %dma_start3A_425] : memref<4096x16x128xf32, #tpu.memory_space<hbm>> -> memref<8x16x128xf32, #tpu.memory_space<hbm>>
    tpu.enqueue_dma source(%arg7 : memref<8x16x128xf32, #tpu.memory_space<vmem>>) target(%dma_start3A_426 : memref<8x16x128xf32, #tpu.memory_space<hbm>>) target_semaphore(%arg19 : memref<!tpu.dma_semaphore, #tpu.memory_space<semaphore_mem>>)
    %add3A_427 = arith.constant 24 : i32
    %add3A_428 = arith.addi %mul3A_2, %add3A_427 : i32
    %dma_wait3A_429 = arith.constant 0 : i32
    %dma_wait3A_430 = arith.constant 0 : i32
    %dma_wait3A_431 = tpu.memref_slice %arg4[%add3A_414, %dma_wait3A_429, %dma_wait3A_430] : memref<4096x16x128xf32, #tpu.memory_space<hbm>> -> memref<8x16x128xf32, #tpu.memory_space<hbm>>
    %dma_wait3A_432 = arith.constant 0 : i32
    %dma_wait3A_433 = arith.constant 0 : i32
    %dma_wait3A_434 = tpu.memref_slice %arg4[%add3A_414, %dma_wait3A_432, %dma_wait3A_433] : memref<4096x16x128xf32, #tpu.memory_space<hbm>> -> memref<8x16x128xf32, #tpu.memory_space<hbm>>
    tpu.wait_dma2 semaphore(%arg19 : memref<!tpu.dma_semaphore, #tpu.memory_space<semaphore_mem>>) src(%arg7 : memref<8x16x128xf32, #tpu.memory_space<vmem>>) dst(%dma_wait3A_434 : memref<8x16x128xf32, #tpu.memory_space<hbm>>)
    %dma_start3A_435 = arith.constant 0 : i32
    %dma_start3A_436 = arith.constant 0 : i32
    %dma_start3A_437 = tpu.memref_slice %arg3[%add3A_428, %dma_start3A_435, %dma_start3A_436] : memref<4096x16x128xf32, #tpu.memory_space<hbm>> -> memref<8x16x128xf32, #tpu.memory_space<hbm>>
    %dma_start3A_438 = arith.constant 0 : i32
    %dma_start3A_439 = arith.constant 0 : i32
    %dma_start3A_440 = tpu.memref_slice %arg3[%add3A_428, %dma_start3A_438, %dma_start3A_439] : memref<4096x16x128xf32, #tpu.memory_space<hbm>> -> memref<8x16x128xf32, #tpu.memory_space<hbm>>
    tpu.enqueue_dma source(%dma_start3A_440 : memref<8x16x128xf32, #tpu.memory_space<hbm>>) target(%arg7 : memref<8x16x128xf32, #tpu.memory_space<vmem>>) target_semaphore(%arg13 : memref<!tpu.dma_semaphore, #tpu.memory_space<semaphore_mem>>)
    %add3A_441 = arith.constant 112 : i32
    %add3A_442 = arith.addi %mul3A_2, %add3A_441 : i32
    %dma_wait3A_443 = arith.constant 0 : i32
    %dma_wait3A_444 = arith.constant 0 : i32
    %dma_wait3A_445 = tpu.memref_slice %arg2[%add3A_288, %dma_wait3A_443, %dma_wait3A_444] : memref<4096x16x128xf32, #tpu.memory_space<hbm>> -> memref<8x16x128xf32, #tpu.memory_space<hbm>>
    %dma_wait3A_446 = arith.constant 0 : i32
    %dma_wait3A_447 = arith.constant 0 : i32
    %dma_wait3A_448 = tpu.memref_slice %arg2[%add3A_288, %dma_wait3A_446, %dma_wait3A_447] : memref<4096x16x128xf32, #tpu.memory_space<hbm>> -> memref<8x16x128xf32, #tpu.memory_space<hbm>>
    tpu.wait_dma2 semaphore(%arg14 : memref<!tpu.dma_semaphore, #tpu.memory_space<semaphore_mem>>) src(%dma_wait3A_448 : memref<8x16x128xf32, #tpu.memory_space<hbm>>) dst(%arg8 : memref<8x16x128xf32, #tpu.memory_space<vmem>>)
    %dma_start3A_449 = arith.constant 0 : i32
    %dma_start3A_450 = arith.constant 0 : i32
    %dma_start3A_451 = tpu.memref_slice %arg4[%add3A_442, %dma_start3A_449, %dma_start3A_450] : memref<4096x16x128xf32, #tpu.memory_space<hbm>> -> memref<8x16x128xf32, #tpu.memory_space<hbm>>
    %dma_start3A_452 = arith.constant 0 : i32
    %dma_start3A_453 = arith.constant 0 : i32
    %dma_start3A_454 = tpu.memref_slice %arg4[%add3A_442, %dma_start3A_452, %dma_start3A_453] : memref<4096x16x128xf32, #tpu.memory_space<hbm>> -> memref<8x16x128xf32, #tpu.memory_space<hbm>>
    tpu.enqueue_dma source(%arg8 : memref<8x16x128xf32, #tpu.memory_space<vmem>>) target(%dma_start3A_454 : memref<8x16x128xf32, #tpu.memory_space<hbm>>) target_semaphore(%arg20 : memref<!tpu.dma_semaphore, #tpu.memory_space<semaphore_mem>>)
    %add3A_455 = arith.constant 32 : i32
    %add3A_456 = arith.addi %mul3A_2, %add3A_455 : i32
    %dma_wait3A_457 = arith.constant 0 : i32
    %dma_wait3A_458 = arith.constant 0 : i32
    %dma_wait3A_459 = tpu.memref_slice %arg4[%add3A_442, %dma_wait3A_457, %dma_wait3A_458] : memref<4096x16x128xf32, #tpu.memory_space<hbm>> -> memref<8x16x128xf32, #tpu.memory_space<hbm>>
    %dma_wait3A_460 = arith.constant 0 : i32
    %dma_wait3A_461 = arith.constant 0 : i32
    %dma_wait3A_462 = tpu.memref_slice %arg4[%add3A_442, %dma_wait3A_460, %dma_wait3A_461] : memref<4096x16x128xf32, #tpu.memory_space<hbm>> -> memref<8x16x128xf32, #tpu.memory_space<hbm>>
    tpu.wait_dma2 semaphore(%arg20 : memref<!tpu.dma_semaphore, #tpu.memory_space<semaphore_mem>>) src(%arg8 : memref<8x16x128xf32, #tpu.memory_space<vmem>>) dst(%dma_wait3A_462 : memref<8x16x128xf32, #tpu.memory_space<hbm>>)
    %dma_start3A_463 = arith.constant 0 : i32
    %dma_start3A_464 = arith.constant 0 : i32
    %dma_start3A_465 = tpu.memref_slice %arg3[%add3A_456, %dma_start3A_463, %dma_start3A_464] : memref<4096x16x128xf32, #tpu.memory_space<hbm>> -> memref<8x16x128xf32, #tpu.memory_space<hbm>>
    %dma_start3A_466 = arith.constant 0 : i32
    %dma_start3A_467 = arith.constant 0 : i32
    %dma_start3A_468 = tpu.memref_slice %arg3[%add3A_456, %dma_start3A_466, %dma_start3A_467] : memref<4096x16x128xf32, #tpu.memory_space<hbm>> -> memref<8x16x128xf32, #tpu.memory_space<hbm>>
    tpu.enqueue_dma source(%dma_start3A_468 : memref<8x16x128xf32, #tpu.memory_space<hbm>>) target(%arg8 : memref<8x16x128xf32, #tpu.memory_space<vmem>>) target_semaphore(%arg14 : memref<!tpu.dma_semaphore, #tpu.memory_space<semaphore_mem>>)
    %add3A_469 = arith.constant 120 : i32
    %add3A_470 = arith.addi %mul3A_2, %add3A_469 : i32
    %dma_wait3A_471 = arith.constant 0 : i32
    %dma_wait3A_472 = arith.constant 0 : i32
    %dma_wait3A_473 = tpu.memref_slice %arg2[%add3A_316, %dma_wait3A_471, %dma_wait3A_472] : memref<4096x16x128xf32, #tpu.memory_space<hbm>> -> memref<8x16x128xf32, #tpu.memory_space<hbm>>
    %dma_wait3A_474 = arith.constant 0 : i32
    %dma_wait3A_475 = arith.constant 0 : i32
    %dma_wait3A_476 = tpu.memref_slice %arg2[%add3A_316, %dma_wait3A_474, %dma_wait3A_475] : memref<4096x16x128xf32, #tpu.memory_space<hbm>> -> memref<8x16x128xf32, #tpu.memory_space<hbm>>
    tpu.wait_dma2 semaphore(%arg15 : memref<!tpu.dma_semaphore, #tpu.memory_space<semaphore_mem>>) src(%dma_wait3A_476 : memref<8x16x128xf32, #tpu.memory_space<hbm>>) dst(%arg9 : memref<8x16x128xf32, #tpu.memory_space<vmem>>)
    %dma_start3A_477 = arith.constant 0 : i32
    %dma_start3A_478 = arith.constant 0 : i32
    %dma_start3A_479 = tpu.memref_slice %arg4[%add3A_470, %dma_start3A_477, %dma_start3A_478] : memref<4096x16x128xf32, #tpu.memory_space<hbm>> -> memref<8x16x128xf32, #tpu.memory_space<hbm>>
    %dma_start3A_480 = arith.constant 0 : i32
    %dma_start3A_481 = arith.constant 0 : i32
    %dma_start3A_482 = tpu.memref_slice %arg4[%add3A_470, %dma_start3A_480, %dma_start3A_481] : memref<4096x16x128xf32, #tpu.memory_space<hbm>> -> memref<8x16x128xf32, #tpu.memory_space<hbm>>
    tpu.enqueue_dma source(%arg9 : memref<8x16x128xf32, #tpu.memory_space<vmem>>) target(%dma_start3A_482 : memref<8x16x128xf32, #tpu.memory_space<hbm>>) target_semaphore(%arg21 : memref<!tpu.dma_semaphore, #tpu.memory_space<semaphore_mem>>)
    %add3A_483 = arith.constant 40 : i32
    %add3A_484 = arith.addi %mul3A_2, %add3A_483 : i32
    %dma_wait3A_485 = arith.constant 0 : i32
    %dma_wait3A_486 = arith.constant 0 : i32
    %dma_wait3A_487 = tpu.memref_slice %arg4[%add3A_470, %dma_wait3A_485, %dma_wait3A_486] : memref<4096x16x128xf32, #tpu.memory_space<hbm>> -> memref<8x16x128xf32, #tpu.memory_space<hbm>>
    %dma_wait3A_488 = arith.constant 0 : i32
    %dma_wait3A_489 = arith.constant 0 : i32
    %dma_wait3A_490 = tpu.memref_slice %arg4[%add3A_470, %dma_wait3A_488, %dma_wait3A_489] : memref<4096x16x128xf32, #tpu.memory_space<hbm>> -> memref<8x16x128xf32, #tpu.memory_space<hbm>>
    tpu.wait_dma2 semaphore(%arg21 : memref<!tpu.dma_semaphore, #tpu.memory_space<semaphore_mem>>) src(%arg9 : memref<8x16x128xf32, #tpu.memory_space<vmem>>) dst(%dma_wait3A_490 : memref<8x16x128xf32, #tpu.memory_space<hbm>>)
    %dma_start3A_491 = arith.constant 0 : i32
    %dma_start3A_492 = arith.constant 0 : i32
    %dma_start3A_493 = tpu.memref_slice %arg3[%add3A_484, %dma_start3A_491, %dma_start3A_492] : memref<4096x16x128xf32, #tpu.memory_space<hbm>> -> memref<8x16x128xf32, #tpu.memory_space<hbm>>
    %dma_start3A_494 = arith.constant 0 : i32
    %dma_start3A_495 = arith.constant 0 : i32
    %dma_start3A_496 = tpu.memref_slice %arg3[%add3A_484, %dma_start3A_494, %dma_start3A_495] : memref<4096x16x128xf32, #tpu.memory_space<hbm>> -> memref<8x16x128xf32, #tpu.memory_space<hbm>>
    tpu.enqueue_dma source(%dma_start3A_496 : memref<8x16x128xf32, #tpu.memory_space<hbm>>) target(%arg9 : memref<8x16x128xf32, #tpu.memory_space<vmem>>) target_semaphore(%arg15 : memref<!tpu.dma_semaphore, #tpu.memory_space<semaphore_mem>>)
    %add3A_497 = arith.constant 0 : i32
    %add3A_498 = arith.addi %mul3A_2, %add3A_497 : i32
    %dma_wait3A_499 = arith.constant 0 : i32
    %dma_wait3A_500 = arith.constant 0 : i32
    %dma_wait3A_501 = tpu.memref_slice %arg3[%add3A_344, %dma_wait3A_499, %dma_wait3A_500] : memref<4096x16x128xf32, #tpu.memory_space<hbm>> -> memref<8x16x128xf32, #tpu.memory_space<hbm>>
    %dma_wait3A_502 = arith.constant 0 : i32
    %dma_wait3A_503 = arith.constant 0 : i32
    %dma_wait3A_504 = tpu.memref_slice %arg3[%add3A_344, %dma_wait3A_502, %dma_wait3A_503] : memref<4096x16x128xf32, #tpu.memory_space<hbm>> -> memref<8x16x128xf32, #tpu.memory_space<hbm>>
    tpu.wait_dma2 semaphore(%arg16 : memref<!tpu.dma_semaphore, #tpu.memory_space<semaphore_mem>>) src(%dma_wait3A_504 : memref<8x16x128xf32, #tpu.memory_space<hbm>>) dst(%arg10 : memref<8x16x128xf32, #tpu.memory_space<vmem>>)
    %dma_start3A_505 = arith.constant 0 : i32
    %dma_start3A_506 = arith.constant 0 : i32
    %dma_start3A_507 = tpu.memref_slice %arg5[%add3A_498, %dma_start3A_505, %dma_start3A_506] : memref<4096x16x128xf32, #tpu.memory_space<hbm>> -> memref<8x16x128xf32, #tpu.memory_space<hbm>>
    %dma_start3A_508 = arith.constant 0 : i32
    %dma_start3A_509 = arith.constant 0 : i32
    %dma_start3A_510 = tpu.memref_slice %arg5[%add3A_498, %dma_start3A_508, %dma_start3A_509] : memref<4096x16x128xf32, #tpu.memory_space<hbm>> -> memref<8x16x128xf32, #tpu.memory_space<hbm>>
    tpu.enqueue_dma source(%arg10 : memref<8x16x128xf32, #tpu.memory_space<vmem>>) target(%dma_start3A_510 : memref<8x16x128xf32, #tpu.memory_space<hbm>>) target_semaphore(%arg22 : memref<!tpu.dma_semaphore, #tpu.memory_space<semaphore_mem>>)
    %add3A_511 = arith.constant 48 : i32
    %add3A_512 = arith.addi %mul3A_2, %add3A_511 : i32
    %dma_wait3A_513 = arith.constant 0 : i32
    %dma_wait3A_514 = arith.constant 0 : i32
    %dma_wait3A_515 = tpu.memref_slice %arg5[%add3A_498, %dma_wait3A_513, %dma_wait3A_514] : memref<4096x16x128xf32, #tpu.memory_space<hbm>> -> memref<8x16x128xf32, #tpu.memory_space<hbm>>
    %dma_wait3A_516 = arith.constant 0 : i32
    %dma_wait3A_517 = arith.constant 0 : i32
    %dma_wait3A_518 = tpu.memref_slice %arg5[%add3A_498, %dma_wait3A_516, %dma_wait3A_517] : memref<4096x16x128xf32, #tpu.memory_space<hbm>> -> memref<8x16x128xf32, #tpu.memory_space<hbm>>
    tpu.wait_dma2 semaphore(%arg22 : memref<!tpu.dma_semaphore, #tpu.memory_space<semaphore_mem>>) src(%arg10 : memref<8x16x128xf32, #tpu.memory_space<vmem>>) dst(%dma_wait3A_518 : memref<8x16x128xf32, #tpu.memory_space<hbm>>)
    %dma_start3A_519 = arith.constant 0 : i32
    %dma_start3A_520 = arith.constant 0 : i32
    %dma_start3A_521 = tpu.memref_slice %arg3[%add3A_512, %dma_start3A_519, %dma_start3A_520] : memref<4096x16x128xf32, #tpu.memory_space<hbm>> -> memref<8x16x128xf32, #tpu.memory_space<hbm>>
    %dma_start3A_522 = arith.constant 0 : i32
    %dma_start3A_523 = arith.constant 0 : i32
    %dma_start3A_524 = tpu.memref_slice %arg3[%add3A_512, %dma_start3A_522, %dma_start3A_523] : memref<4096x16x128xf32, #tpu.memory_space<hbm>> -> memref<8x16x128xf32, #tpu.memory_space<hbm>>
    tpu.enqueue_dma source(%dma_start3A_524 : memref<8x16x128xf32, #tpu.memory_space<hbm>>) target(%arg10 : memref<8x16x128xf32, #tpu.memory_space<vmem>>) target_semaphore(%arg16 : memref<!tpu.dma_semaphore, #tpu.memory_space<semaphore_mem>>)
    %add3A_525 = arith.constant 8 : i32
    %add3A_526 = arith.addi %mul3A_2, %add3A_525 : i32
    %dma_wait3A_527 = arith.constant 0 : i32
    %dma_wait3A_528 = arith.constant 0 : i32
    %dma_wait3A_529 = tpu.memref_slice %arg3[%add3A_372, %dma_wait3A_527, %dma_wait3A_528] : memref<4096x16x128xf32, #tpu.memory_space<hbm>> -> memref<8x16x128xf32, #tpu.memory_space<hbm>>
    %dma_wait3A_530 = arith.constant 0 : i32
    %dma_wait3A_531 = arith.constant 0 : i32
    %dma_wait3A_532 = tpu.memref_slice %arg3[%add3A_372, %dma_wait3A_530, %dma_wait3A_531] : memref<4096x16x128xf32, #tpu.memory_space<hbm>> -> memref<8x16x128xf32, #tpu.memory_space<hbm>>
    tpu.wait_dma2 semaphore(%arg17 : memref<!tpu.dma_semaphore, #tpu.memory_space<semaphore_mem>>) src(%dma_wait3A_532 : memref<8x16x128xf32, #tpu.memory_space<hbm>>) dst(%arg11 : memref<8x16x128xf32, #tpu.memory_space<vmem>>)
    %dma_start3A_533 = arith.constant 0 : i32
    %dma_start3A_534 = arith.constant 0 : i32
    %dma_start3A_535 = tpu.memref_slice %arg5[%add3A_526, %dma_start3A_533, %dma_start3A_534] : memref<4096x16x128xf32, #tpu.memory_space<hbm>> -> memref<8x16x128xf32, #tpu.memory_space<hbm>>
    %dma_start3A_536 = arith.constant 0 : i32
    %dma_start3A_537 = arith.constant 0 : i32
    %dma_start3A_538 = tpu.memref_slice %arg5[%add3A_526, %dma_start3A_536, %dma_start3A_537] : memref<4096x16x128xf32, #tpu.memory_space<hbm>> -> memref<8x16x128xf32, #tpu.memory_space<hbm>>
    tpu.enqueue_dma source(%arg11 : memref<8x16x128xf32, #tpu.memory_space<vmem>>) target(%dma_start3A_538 : memref<8x16x128xf32, #tpu.memory_space<hbm>>) target_semaphore(%arg23 : memref<!tpu.dma_semaphore, #tpu.memory_space<semaphore_mem>>)
    %add3A_539 = arith.constant 56 : i32
    %add3A_540 = arith.addi %mul3A_2, %add3A_539 : i32
    %dma_wait3A_541 = arith.constant 0 : i32
    %dma_wait3A_542 = arith.constant 0 : i32
    %dma_wait3A_543 = tpu.memref_slice %arg5[%add3A_526, %dma_wait3A_541, %dma_wait3A_542] : memref<4096x16x128xf32, #tpu.memory_space<hbm>> -> memref<8x16x128xf32, #tpu.memory_space<hbm>>
    %dma_wait3A_544 = arith.constant 0 : i32
    %dma_wait3A_545 = arith.constant 0 : i32
    %dma_wait3A_546 = tpu.memref_slice %arg5[%add3A_526, %dma_wait3A_544, %dma_wait3A_545] : memref<4096x16x128xf32, #tpu.memory_space<hbm>> -> memref<8x16x128xf32, #tpu.memory_space<hbm>>
    tpu.wait_dma2 semaphore(%arg23 : memref<!tpu.dma_semaphore, #tpu.memory_space<semaphore_mem>>) src(%arg11 : memref<8x16x128xf32, #tpu.memory_space<vmem>>) dst(%dma_wait3A_546 : memref<8x16x128xf32, #tpu.memory_space<hbm>>)
    %dma_start3A_547 = arith.constant 0 : i32
    %dma_start3A_548 = arith.constant 0 : i32
    %dma_start3A_549 = tpu.memref_slice %arg3[%add3A_540, %dma_start3A_547, %dma_start3A_548] : memref<4096x16x128xf32, #tpu.memory_space<hbm>> -> memref<8x16x128xf32, #tpu.memory_space<hbm>>
    %dma_start3A_550 = arith.constant 0 : i32
    %dma_start3A_551 = arith.constant 0 : i32
    %dma_start3A_552 = tpu.memref_slice %arg3[%add3A_540, %dma_start3A_550, %dma_start3A_551] : memref<4096x16x128xf32, #tpu.memory_space<hbm>> -> memref<8x16x128xf32, #tpu.memory_space<hbm>>
    tpu.enqueue_dma source(%dma_start3A_552 : memref<8x16x128xf32, #tpu.memory_space<hbm>>) target(%arg11 : memref<8x16x128xf32, #tpu.memory_space<vmem>>) target_semaphore(%arg17 : memref<!tpu.dma_semaphore, #tpu.memory_space<semaphore_mem>>)
    %add3A_553 = arith.constant 16 : i32
    %add3A_554 = arith.addi %mul3A_2, %add3A_553 : i32
    %dma_wait3A_555 = arith.constant 0 : i32
    %dma_wait3A_556 = arith.constant 0 : i32
    %dma_wait3A_557 = tpu.memref_slice %arg3[%add3A_400, %dma_wait3A_555, %dma_wait3A_556] : memref<4096x16x128xf32, #tpu.memory_space<hbm>> -> memref<8x16x128xf32, #tpu.memory_space<hbm>>
    %dma_wait3A_558 = arith.constant 0 : i32
    %dma_wait3A_559 = arith.constant 0 : i32
    %dma_wait3A_560 = tpu.memref_slice %arg3[%add3A_400, %dma_wait3A_558, %dma_wait3A_559] : memref<4096x16x128xf32, #tpu.memory_space<hbm>> -> memref<8x16x128xf32, #tpu.memory_space<hbm>>
    tpu.wait_dma2 semaphore(%arg12 : memref<!tpu.dma_semaphore, #tpu.memory_space<semaphore_mem>>) src(%dma_wait3A_560 : memref<8x16x128xf32, #tpu.memory_space<hbm>>) dst(%arg6 : memref<8x16x128xf32, #tpu.memory_space<vmem>>)
    %dma_start3A_561 = arith.constant 0 : i32
    %dma_start3A_562 = arith.constant 0 : i32
    %dma_start3A_563 = tpu.memref_slice %arg5[%add3A_554, %dma_start3A_561, %dma_start3A_562] : memref<4096x16x128xf32, #tpu.memory_space<hbm>> -> memref<8x16x128xf32, #tpu.memory_space<hbm>>
    %dma_start3A_564 = arith.constant 0 : i32
    %dma_start3A_565 = arith.constant 0 : i32
    %dma_start3A_566 = tpu.memref_slice %arg5[%add3A_554, %dma_start3A_564, %dma_start3A_565] : memref<4096x16x128xf32, #tpu.memory_space<hbm>> -> memref<8x16x128xf32, #tpu.memory_space<hbm>>
    tpu.enqueue_dma source(%arg6 : memref<8x16x128xf32, #tpu.memory_space<vmem>>) target(%dma_start3A_566 : memref<8x16x128xf32, #tpu.memory_space<hbm>>) target_semaphore(%arg18 : memref<!tpu.dma_semaphore, #tpu.memory_space<semaphore_mem>>)
    %add3A_567 = arith.constant 64 : i32
    %add3A_568 = arith.addi %mul3A_2, %add3A_567 : i32
    %dma_wait3A_569 = arith.constant 0 : i32
    %dma_wait3A_570 = arith.constant 0 : i32
    %dma_wait3A_571 = tpu.memref_slice %arg5[%add3A_554, %dma_wait3A_569, %dma_wait3A_570] : memref<4096x16x128xf32, #tpu.memory_space<hbm>> -> memref<8x16x128xf32, #tpu.memory_space<hbm>>
    %dma_wait3A_572 = arith.constant 0 : i32
    %dma_wait3A_573 = arith.constant 0 : i32
    %dma_wait3A_574 = tpu.memref_slice %arg5[%add3A_554, %dma_wait3A_572, %dma_wait3A_573] : memref<4096x16x128xf32, #tpu.memory_space<hbm>> -> memref<8x16x128xf32, #tpu.memory_space<hbm>>
    tpu.wait_dma2 semaphore(%arg18 : memref<!tpu.dma_semaphore, #tpu.memory_space<semaphore_mem>>) src(%arg6 : memref<8x16x128xf32, #tpu.memory_space<vmem>>) dst(%dma_wait3A_574 : memref<8x16x128xf32, #tpu.memory_space<hbm>>)
    %dma_start3A_575 = arith.constant 0 : i32
    %dma_start3A_576 = arith.constant 0 : i32
    %dma_start3A_577 = tpu.memref_slice %arg3[%add3A_568, %dma_start3A_575, %dma_start3A_576] : memref<4096x16x128xf32, #tpu.memory_space<hbm>> -> memref<8x16x128xf32, #tpu.memory_space<hbm>>
    %dma_start3A_578 = arith.constant 0 : i32
    %dma_start3A_579 = arith.constant 0 : i32
    %dma_start3A_580 = tpu.memref_slice %arg3[%add3A_568, %dma_start3A_578, %dma_start3A_579] : memref<4096x16x128xf32, #tpu.memory_space<hbm>> -> memref<8x16x128xf32, #tpu.memory_space<hbm>>
    tpu.enqueue_dma source(%dma_start3A_580 : memref<8x16x128xf32, #tpu.memory_space<hbm>>) target(%arg6 : memref<8x16x128xf32, #tpu.memory_space<vmem>>) target_semaphore(%arg12 : memref<!tpu.dma_semaphore, #tpu.memory_space<semaphore_mem>>)
    %add3A_581 = arith.constant 24 : i32
    %add3A_582 = arith.addi %mul3A_2, %add3A_581 : i32
    %dma_wait3A_583 = arith.constant 0 : i32
    %dma_wait3A_584 = arith.constant 0 : i32
    %dma_wait3A_585 = tpu.memref_slice %arg3[%add3A_428, %dma_wait3A_583, %dma_wait3A_584] : memref<4096x16x128xf32, #tpu.memory_space<hbm>> -> memref<8x16x128xf32, #tpu.memory_space<hbm>>
    %dma_wait3A_586 = arith.constant 0 : i32
    %dma_wait3A_587 = arith.constant 0 : i32
    %dma_wait3A_588 = tpu.memref_slice %arg3[%add3A_428, %dma_wait3A_586, %dma_wait3A_587] : memref<4096x16x128xf32, #tpu.memory_space<hbm>> -> memref<8x16x128xf32, #tpu.memory_space<hbm>>
    tpu.wait_dma2 semaphore(%arg13 : memref<!tpu.dma_semaphore, #tpu.memory_space<semaphore_mem>>) src(%dma_wait3A_588 : memref<8x16x128xf32, #tpu.memory_space<hbm>>) dst(%arg7 : memref<8x16x128xf32, #tpu.memory_space<vmem>>)
    %dma_start3A_589 = arith.constant 0 : i32
    %dma_start3A_590 = arith.constant 0 : i32
    %dma_start3A_591 = tpu.memref_slice %arg5[%add3A_582, %dma_start3A_589, %dma_start3A_590] : memref<4096x16x128xf32, #tpu.memory_space<hbm>> -> memref<8x16x128xf32, #tpu.memory_space<hbm>>
    %dma_start3A_592 = arith.constant 0 : i32
    %dma_start3A_593 = arith.constant 0 : i32
    %dma_start3A_594 = tpu.memref_slice %arg5[%add3A_582, %dma_start3A_592, %dma_start3A_593] : memref<4096x16x128xf32, #tpu.memory_space<hbm>> -> memref<8x16x128xf32, #tpu.memory_space<hbm>>
    tpu.enqueue_dma source(%arg7 : memref<8x16x128xf32, #tpu.memory_space<vmem>>) target(%dma_start3A_594 : memref<8x16x128xf32, #tpu.memory_space<hbm>>) target_semaphore(%arg19 : memref<!tpu.dma_semaphore, #tpu.memory_space<semaphore_mem>>)
    %add3A_595 = arith.constant 72 : i32
    %add3A_596 = arith.addi %mul3A_2, %add3A_595 : i32
    %dma_wait3A_597 = arith.constant 0 : i32
    %dma_wait3A_598 = arith.constant 0 : i32
    %dma_wait3A_599 = tpu.memref_slice %arg5[%add3A_582, %dma_wait3A_597, %dma_wait3A_598] : memref<4096x16x128xf32, #tpu.memory_space<hbm>> -> memref<8x16x128xf32, #tpu.memory_space<hbm>>
    %dma_wait3A_600 = arith.constant 0 : i32
    %dma_wait3A_601 = arith.constant 0 : i32
    %dma_wait3A_602 = tpu.memref_slice %arg5[%add3A_582, %dma_wait3A_600, %dma_wait3A_601] : memref<4096x16x128xf32, #tpu.memory_space<hbm>> -> memref<8x16x128xf32, #tpu.memory_space<hbm>>
    tpu.wait_dma2 semaphore(%arg19 : memref<!tpu.dma_semaphore, #tpu.memory_space<semaphore_mem>>) src(%arg7 : memref<8x16x128xf32, #tpu.memory_space<vmem>>) dst(%dma_wait3A_602 : memref<8x16x128xf32, #tpu.memory_space<hbm>>)
    %dma_start3A_603 = arith.constant 0 : i32
    %dma_start3A_604 = arith.constant 0 : i32
    %dma_start3A_605 = tpu.memref_slice %arg3[%add3A_596, %dma_start3A_603, %dma_start3A_604] : memref<4096x16x128xf32, #tpu.memory_space<hbm>> -> memref<8x16x128xf32, #tpu.memory_space<hbm>>
    %dma_start3A_606 = arith.constant 0 : i32
    %dma_start3A_607 = arith.constant 0 : i32
    %dma_start3A_608 = tpu.memref_slice %arg3[%add3A_596, %dma_start3A_606, %dma_start3A_607] : memref<4096x16x128xf32, #tpu.memory_space<hbm>> -> memref<8x16x128xf32, #tpu.memory_space<hbm>>
    tpu.enqueue_dma source(%dma_start3A_608 : memref<8x16x128xf32, #tpu.memory_space<hbm>>) target(%arg7 : memref<8x16x128xf32, #tpu.memory_space<vmem>>) target_semaphore(%arg13 : memref<!tpu.dma_semaphore, #tpu.memory_space<semaphore_mem>>)
    %add3A_609 = arith.constant 32 : i32
    %add3A_610 = arith.addi %mul3A_2, %add3A_609 : i32
    %dma_wait3A_611 = arith.constant 0 : i32
    %dma_wait3A_612 = arith.constant 0 : i32
    %dma_wait3A_613 = tpu.memref_slice %arg3[%add3A_456, %dma_wait3A_611, %dma_wait3A_612] : memref<4096x16x128xf32, #tpu.memory_space<hbm>> -> memref<8x16x128xf32, #tpu.memory_space<hbm>>
    %dma_wait3A_614 = arith.constant 0 : i32
    %dma_wait3A_615 = arith.constant 0 : i32
    %dma_wait3A_616 = tpu.memref_slice %arg3[%add3A_456, %dma_wait3A_614, %dma_wait3A_615] : memref<4096x16x128xf32, #tpu.memory_space<hbm>> -> memref<8x16x128xf32, #tpu.memory_space<hbm>>
    tpu.wait_dma2 semaphore(%arg14 : memref<!tpu.dma_semaphore, #tpu.memory_space<semaphore_mem>>) src(%dma_wait3A_616 : memref<8x16x128xf32, #tpu.memory_space<hbm>>) dst(%arg8 : memref<8x16x128xf32, #tpu.memory_space<vmem>>)
    %dma_start3A_617 = arith.constant 0 : i32
    %dma_start3A_618 = arith.constant 0 : i32
    %dma_start3A_619 = tpu.memref_slice %arg5[%add3A_610, %dma_start3A_617, %dma_start3A_618] : memref<4096x16x128xf32, #tpu.memory_space<hbm>> -> memref<8x16x128xf32, #tpu.memory_space<hbm>>
    %dma_start3A_620 = arith.constant 0 : i32
    %dma_start3A_621 = arith.constant 0 : i32
    %dma_start3A_622 = tpu.memref_slice %arg5[%add3A_610, %dma_start3A_620, %dma_start3A_621] : memref<4096x16x128xf32, #tpu.memory_space<hbm>> -> memref<8x16x128xf32, #tpu.memory_space<hbm>>
    tpu.enqueue_dma source(%arg8 : memref<8x16x128xf32, #tpu.memory_space<vmem>>) target(%dma_start3A_622 : memref<8x16x128xf32, #tpu.memory_space<hbm>>) target_semaphore(%arg20 : memref<!tpu.dma_semaphore, #tpu.memory_space<semaphore_mem>>)
    %add3A_623 = arith.constant 80 : i32
    %add3A_624 = arith.addi %mul3A_2, %add3A_623 : i32
    %dma_wait3A_625 = arith.constant 0 : i32
    %dma_wait3A_626 = arith.constant 0 : i32
    %dma_wait3A_627 = tpu.memref_slice %arg5[%add3A_610, %dma_wait3A_625, %dma_wait3A_626] : memref<4096x16x128xf32, #tpu.memory_space<hbm>> -> memref<8x16x128xf32, #tpu.memory_space<hbm>>
    %dma_wait3A_628 = arith.constant 0 : i32
    %dma_wait3A_629 = arith.constant 0 : i32
    %dma_wait3A_630 = tpu.memref_slice %arg5[%add3A_610, %dma_wait3A_628, %dma_wait3A_629] : memref<4096x16x128xf32, #tpu.memory_space<hbm>> -> memref<8x16x128xf32, #tpu.memory_space<hbm>>
    tpu.wait_dma2 semaphore(%arg20 : memref<!tpu.dma_semaphore, #tpu.memory_space<semaphore_mem>>) src(%arg8 : memref<8x16x128xf32, #tpu.memory_space<vmem>>) dst(%dma_wait3A_630 : memref<8x16x128xf32, #tpu.memory_space<hbm>>)
    %dma_start3A_631 = arith.constant 0 : i32
    %dma_start3A_632 = arith.constant 0 : i32
    %dma_start3A_633 = tpu.memref_slice %arg3[%add3A_624, %dma_start3A_631, %dma_start3A_632] : memref<4096x16x128xf32, #tpu.memory_space<hbm>> -> memref<8x16x128xf32, #tpu.memory_space<hbm>>
    %dma_start3A_634 = arith.constant 0 : i32
    %dma_start3A_635 = arith.constant 0 : i32
    %dma_start3A_636 = tpu.memref_slice %arg3[%add3A_624, %dma_start3A_634, %dma_start3A_635] : memref<4096x16x128xf32, #tpu.memory_space<hbm>> -> memref<8x16x128xf32, #tpu.memory_space<hbm>>
    tpu.enqueue_dma source(%dma_start3A_636 : memref<8x16x128xf32, #tpu.memory_space<hbm>>) target(%arg8 : memref<8x16x128xf32, #tpu.memory_space<vmem>>) target_semaphore(%arg14 : memref<!tpu.dma_semaphore, #tpu.memory_space<semaphore_mem>>)
    %add3A_637 = arith.constant 40 : i32
    %add3A_638 = arith.addi %mul3A_2, %add3A_637 : i32
    %dma_wait3A_639 = arith.constant 0 : i32
    %dma_wait3A_640 = arith.constant 0 : i32
    %dma_wait3A_641 = tpu.memref_slice %arg3[%add3A_484, %dma_wait3A_639, %dma_wait3A_640] : memref<4096x16x128xf32, #tpu.memory_space<hbm>> -> memref<8x16x128xf32, #tpu.memory_space<hbm>>
    %dma_wait3A_642 = arith.constant 0 : i32
    %dma_wait3A_643 = arith.constant 0 : i32
    %dma_wait3A_644 = tpu.memref_slice %arg3[%add3A_484, %dma_wait3A_642, %dma_wait3A_643] : memref<4096x16x128xf32, #tpu.memory_space<hbm>> -> memref<8x16x128xf32, #tpu.memory_space<hbm>>
    tpu.wait_dma2 semaphore(%arg15 : memref<!tpu.dma_semaphore, #tpu.memory_space<semaphore_mem>>) src(%dma_wait3A_644 : memref<8x16x128xf32, #tpu.memory_space<hbm>>) dst(%arg9 : memref<8x16x128xf32, #tpu.memory_space<vmem>>)
    %dma_start3A_645 = arith.constant 0 : i32
    %dma_start3A_646 = arith.constant 0 : i32
    %dma_start3A_647 = tpu.memref_slice %arg5[%add3A_638, %dma_start3A_645, %dma_start3A_646] : memref<4096x16x128xf32, #tpu.memory_space<hbm>> -> memref<8x16x128xf32, #tpu.memory_space<hbm>>
    %dma_start3A_648 = arith.constant 0 : i32
    %dma_start3A_649 = arith.constant 0 : i32
    %dma_start3A_650 = tpu.memref_slice %arg5[%add3A_638, %dma_start3A_648, %dma_start3A_649] : memref<4096x16x128xf32, #tpu.memory_space<hbm>> -> memref<8x16x128xf32, #tpu.memory_space<hbm>>
    tpu.enqueue_dma source(%arg9 : memref<8x16x128xf32, #tpu.memory_space<vmem>>) target(%dma_start3A_650 : memref<8x16x128xf32, #tpu.memory_space<hbm>>) target_semaphore(%arg21 : memref<!tpu.dma_semaphore, #tpu.memory_space<semaphore_mem>>)
    %add3A_651 = arith.constant 88 : i32
    %add3A_652 = arith.addi %mul3A_2, %add3A_651 : i32
    %dma_wait3A_653 = arith.constant 0 : i32
    %dma_wait3A_654 = arith.constant 0 : i32
    %dma_wait3A_655 = tpu.memref_slice %arg5[%add3A_638, %dma_wait3A_653, %dma_wait3A_654] : memref<4096x16x128xf32, #tpu.memory_space<hbm>> -> memref<8x16x128xf32, #tpu.memory_space<hbm>>
    %dma_wait3A_656 = arith.constant 0 : i32
    %dma_wait3A_657 = arith.constant 0 : i32
    %dma_wait3A_658 = tpu.memref_slice %arg5[%add3A_638, %dma_wait3A_656, %dma_wait3A_657] : memref<4096x16x128xf32, #tpu.memory_space<hbm>> -> memref<8x16x128xf32, #tpu.memory_space<hbm>>
    tpu.wait_dma2 semaphore(%arg21 : memref<!tpu.dma_semaphore, #tpu.memory_space<semaphore_mem>>) src(%arg9 : memref<8x16x128xf32, #tpu.memory_space<vmem>>) dst(%dma_wait3A_658 : memref<8x16x128xf32, #tpu.memory_space<hbm>>)
    %dma_start3A_659 = arith.constant 0 : i32
    %dma_start3A_660 = arith.constant 0 : i32
    %dma_start3A_661 = tpu.memref_slice %arg3[%add3A_652, %dma_start3A_659, %dma_start3A_660] : memref<4096x16x128xf32, #tpu.memory_space<hbm>> -> memref<8x16x128xf32, #tpu.memory_space<hbm>>
    %dma_start3A_662 = arith.constant 0 : i32
    %dma_start3A_663 = arith.constant 0 : i32
    %dma_start3A_664 = tpu.memref_slice %arg3[%add3A_652, %dma_start3A_662, %dma_start3A_663] : memref<4096x16x128xf32, #tpu.memory_space<hbm>> -> memref<8x16x128xf32, #tpu.memory_space<hbm>>
    tpu.enqueue_dma source(%dma_start3A_664 : memref<8x16x128xf32, #tpu.memory_space<hbm>>) target(%arg9 : memref<8x16x128xf32, #tpu.memory_space<vmem>>) target_semaphore(%arg15 : memref<!tpu.dma_semaphore, #tpu.memory_space<semaphore_mem>>)
    %add3A_665 = arith.constant 48 : i32
    %add3A_666 = arith.addi %mul3A_2, %add3A_665 : i32
    %dma_wait3A_667 = arith.constant 0 : i32
    %dma_wait3A_668 = arith.constant 0 : i32
    %dma_wait3A_669 = tpu.memref_slice %arg3[%add3A_512, %dma_wait3A_667, %dma_wait3A_668] : memref<4096x16x128xf32, #tpu.memory_space<hbm>> -> memref<8x16x128xf32, #tpu.memory_space<hbm>>
    %dma_wait3A_670 = arith.constant 0 : i32
    %dma_wait3A_671 = arith.constant 0 : i32
    %dma_wait3A_672 = tpu.memref_slice %arg3[%add3A_512, %dma_wait3A_670, %dma_wait3A_671] : memref<4096x16x128xf32, #tpu.memory_space<hbm>> -> memref<8x16x128xf32, #tpu.memory_space<hbm>>
    tpu.wait_dma2 semaphore(%arg16 : memref<!tpu.dma_semaphore, #tpu.memory_space<semaphore_mem>>) src(%dma_wait3A_672 : memref<8x16x128xf32, #tpu.memory_space<hbm>>) dst(%arg10 : memref<8x16x128xf32, #tpu.memory_space<vmem>>)
    %dma_start3A_673 = arith.constant 0 : i32
    %dma_start3A_674 = arith.constant 0 : i32
    %dma_start3A_675 = tpu.memref_slice %arg5[%add3A_666, %dma_start3A_673, %dma_start3A_674] : memref<4096x16x128xf32, #tpu.memory_space<hbm>> -> memref<8x16x128xf32, #tpu.memory_space<hbm>>
    %dma_start3A_676 = arith.constant 0 : i32
    %dma_start3A_677 = arith.constant 0 : i32
    %dma_start3A_678 = tpu.memref_slice %arg5[%add3A_666, %dma_start3A_676, %dma_start3A_677] : memref<4096x16x128xf32, #tpu.memory_space<hbm>> -> memref<8x16x128xf32, #tpu.memory_space<hbm>>
    tpu.enqueue_dma source(%arg10 : memref<8x16x128xf32, #tpu.memory_space<vmem>>) target(%dma_start3A_678 : memref<8x16x128xf32, #tpu.memory_space<hbm>>) target_semaphore(%arg22 : memref<!tpu.dma_semaphore, #tpu.memory_space<semaphore_mem>>)
    %add3A_679 = arith.constant 96 : i32
    %add3A_680 = arith.addi %mul3A_2, %add3A_679 : i32
    %dma_wait3A_681 = arith.constant 0 : i32
    %dma_wait3A_682 = arith.constant 0 : i32
    %dma_wait3A_683 = tpu.memref_slice %arg5[%add3A_666, %dma_wait3A_681, %dma_wait3A_682] : memref<4096x16x128xf32, #tpu.memory_space<hbm>> -> memref<8x16x128xf32, #tpu.memory_space<hbm>>
    %dma_wait3A_684 = arith.constant 0 : i32
    %dma_wait3A_685 = arith.constant 0 : i32
    %dma_wait3A_686 = tpu.memref_slice %arg5[%add3A_666, %dma_wait3A_684, %dma_wait3A_685] : memref<4096x16x128xf32, #tpu.memory_space<hbm>> -> memref<8x16x128xf32, #tpu.memory_space<hbm>>
    tpu.wait_dma2 semaphore(%arg22 : memref<!tpu.dma_semaphore, #tpu.memory_space<semaphore_mem>>) src(%arg10 : memref<8x16x128xf32, #tpu.memory_space<vmem>>) dst(%dma_wait3A_686 : memref<8x16x128xf32, #tpu.memory_space<hbm>>)
    %dma_start3A_687 = arith.constant 0 : i32
    %dma_start3A_688 = arith.constant 0 : i32
    %dma_start3A_689 = tpu.memref_slice %arg3[%add3A_680, %dma_start3A_687, %dma_start3A_688] : memref<4096x16x128xf32, #tpu.memory_space<hbm>> -> memref<8x16x128xf32, #tpu.memory_space<hbm>>
    %dma_start3A_690 = arith.constant 0 : i32
    %dma_start3A_691 = arith.constant 0 : i32
    %dma_start3A_692 = tpu.memref_slice %arg3[%add3A_680, %dma_start3A_690, %dma_start3A_691] : memref<4096x16x128xf32, #tpu.memory_space<hbm>> -> memref<8x16x128xf32, #tpu.memory_space<hbm>>
    tpu.enqueue_dma source(%dma_start3A_692 : memref<8x16x128xf32, #tpu.memory_space<hbm>>) target(%arg10 : memref<8x16x128xf32, #tpu.memory_space<vmem>>) target_semaphore(%arg16 : memref<!tpu.dma_semaphore, #tpu.memory_space<semaphore_mem>>)
    %add3A_693 = arith.constant 56 : i32
    %add3A_694 = arith.addi %mul3A_2, %add3A_693 : i32
    %dma_wait3A_695 = arith.constant 0 : i32
    %dma_wait3A_696 = arith.constant 0 : i32
    %dma_wait3A_697 = tpu.memref_slice %arg3[%add3A_540, %dma_wait3A_695, %dma_wait3A_696] : memref<4096x16x128xf32, #tpu.memory_space<hbm>> -> memref<8x16x128xf32, #tpu.memory_space<hbm>>
    %dma_wait3A_698 = arith.constant 0 : i32
    %dma_wait3A_699 = arith.constant 0 : i32
    %dma_wait3A_700 = tpu.memref_slice %arg3[%add3A_540, %dma_wait3A_698, %dma_wait3A_699] : memref<4096x16x128xf32, #tpu.memory_space<hbm>> -> memref<8x16x128xf32, #tpu.memory_space<hbm>>
    tpu.wait_dma2 semaphore(%arg17 : memref<!tpu.dma_semaphore, #tpu.memory_space<semaphore_mem>>) src(%dma_wait3A_700 : memref<8x16x128xf32, #tpu.memory_space<hbm>>) dst(%arg11 : memref<8x16x128xf32, #tpu.memory_space<vmem>>)
    %dma_start3A_701 = arith.constant 0 : i32
    %dma_start3A_702 = arith.constant 0 : i32
    %dma_start3A_703 = tpu.memref_slice %arg5[%add3A_694, %dma_start3A_701, %dma_start3A_702] : memref<4096x16x128xf32, #tpu.memory_space<hbm>> -> memref<8x16x128xf32, #tpu.memory_space<hbm>>
    %dma_start3A_704 = arith.constant 0 : i32
    %dma_start3A_705 = arith.constant 0 : i32
    %dma_start3A_706 = tpu.memref_slice %arg5[%add3A_694, %dma_start3A_704, %dma_start3A_705] : memref<4096x16x128xf32, #tpu.memory_space<hbm>> -> memref<8x16x128xf32, #tpu.memory_space<hbm>>
    tpu.enqueue_dma source(%arg11 : memref<8x16x128xf32, #tpu.memory_space<vmem>>) target(%dma_start3A_706 : memref<8x16x128xf32, #tpu.memory_space<hbm>>) target_semaphore(%arg23 : memref<!tpu.dma_semaphore, #tpu.memory_space<semaphore_mem>>)
    %add3A_707 = arith.constant 104 : i32
    %add3A_708 = arith.addi %mul3A_2, %add3A_707 : i32
    %dma_wait3A_709 = arith.constant 0 : i32
    %dma_wait3A_710 = arith.constant 0 : i32
    %dma_wait3A_711 = tpu.memref_slice %arg5[%add3A_694, %dma_wait3A_709, %dma_wait3A_710] : memref<4096x16x128xf32, #tpu.memory_space<hbm>> -> memref<8x16x128xf32, #tpu.memory_space<hbm>>
    %dma_wait3A_712 = arith.constant 0 : i32
    %dma_wait3A_713 = arith.constant 0 : i32
    %dma_wait3A_714 = tpu.memref_slice %arg5[%add3A_694, %dma_wait3A_712, %dma_wait3A_713] : memref<4096x16x128xf32, #tpu.memory_space<hbm>> -> memref<8x16x128xf32, #tpu.memory_space<hbm>>
    tpu.wait_dma2 semaphore(%arg23 : memref<!tpu.dma_semaphore, #tpu.memory_space<semaphore_mem>>) src(%arg11 : memref<8x16x128xf32, #tpu.memory_space<vmem>>) dst(%dma_wait3A_714 : memref<8x16x128xf32, #tpu.memory_space<hbm>>)
    %dma_start3A_715 = arith.constant 0 : i32
    %dma_start3A_716 = arith.constant 0 : i32
    %dma_start3A_717 = tpu.memref_slice %arg3[%add3A_708, %dma_start3A_715, %dma_start3A_716] : memref<4096x16x128xf32, #tpu.memory_space<hbm>> -> memref<8x16x128xf32, #tpu.memory_space<hbm>>
    %dma_start3A_718 = arith.constant 0 : i32
    %dma_start3A_719 = arith.constant 0 : i32
    %dma_start3A_720 = tpu.memref_slice %arg3[%add3A_708, %dma_start3A_718, %dma_start3A_719] : memref<4096x16x128xf32, #tpu.memory_space<hbm>> -> memref<8x16x128xf32, #tpu.memory_space<hbm>>
    tpu.enqueue_dma source(%dma_start3A_720 : memref<8x16x128xf32, #tpu.memory_space<hbm>>) target(%arg11 : memref<8x16x128xf32, #tpu.memory_space<vmem>>) target_semaphore(%arg17 : memref<!tpu.dma_semaphore, #tpu.memory_space<semaphore_mem>>)
    %add3A_721 = arith.constant 64 : i32
    %add3A_722 = arith.addi %mul3A_2, %add3A_721 : i32
    %dma_wait3A_723 = arith.constant 0 : i32
    %dma_wait3A_724 = arith.constant 0 : i32
    %dma_wait3A_725 = tpu.memref_slice %arg3[%add3A_568, %dma_wait3A_723, %dma_wait3A_724] : memref<4096x16x128xf32, #tpu.memory_space<hbm>> -> memref<8x16x128xf32, #tpu.memory_space<hbm>>
    %dma_wait3A_726 = arith.constant 0 : i32
    %dma_wait3A_727 = arith.constant 0 : i32
    %dma_wait3A_728 = tpu.memref_slice %arg3[%add3A_568, %dma_wait3A_726, %dma_wait3A_727] : memref<4096x16x128xf32, #tpu.memory_space<hbm>> -> memref<8x16x128xf32, #tpu.memory_space<hbm>>
    tpu.wait_dma2 semaphore(%arg12 : memref<!tpu.dma_semaphore, #tpu.memory_space<semaphore_mem>>) src(%dma_wait3A_728 : memref<8x16x128xf32, #tpu.memory_space<hbm>>) dst(%arg6 : memref<8x16x128xf32, #tpu.memory_space<vmem>>)
    %dma_start3A_729 = arith.constant 0 : i32
    %dma_start3A_730 = arith.constant 0 : i32
    %dma_start3A_731 = tpu.memref_slice %arg5[%add3A_722, %dma_start3A_729, %dma_start3A_730] : memref<4096x16x128xf32, #tpu.memory_space<hbm>> -> memref<8x16x128xf32, #tpu.memory_space<hbm>>
    %dma_start3A_732 = arith.constant 0 : i32
    %dma_start3A_733 = arith.constant 0 : i32
    %dma_start3A_734 = tpu.memref_slice %arg5[%add3A_722, %dma_start3A_732, %dma_start3A_733] : memref<4096x16x128xf32, #tpu.memory_space<hbm>> -> memref<8x16x128xf32, #tpu.memory_space<hbm>>
    tpu.enqueue_dma source(%arg6 : memref<8x16x128xf32, #tpu.memory_space<vmem>>) target(%dma_start3A_734 : memref<8x16x128xf32, #tpu.memory_space<hbm>>) target_semaphore(%arg18 : memref<!tpu.dma_semaphore, #tpu.memory_space<semaphore_mem>>)
    %add3A_735 = arith.constant 112 : i32
    %add3A_736 = arith.addi %mul3A_2, %add3A_735 : i32
    %dma_wait3A_737 = arith.constant 0 : i32
    %dma_wait3A_738 = arith.constant 0 : i32
    %dma_wait3A_739 = tpu.memref_slice %arg5[%add3A_722, %dma_wait3A_737, %dma_wait3A_738] : memref<4096x16x128xf32, #tpu.memory_space<hbm>> -> memref<8x16x128xf32, #tpu.memory_space<hbm>>
    %dma_wait3A_740 = arith.constant 0 : i32
    %dma_wait3A_741 = arith.constant 0 : i32
    %dma_wait3A_742 = tpu.memref_slice %arg5[%add3A_722, %dma_wait3A_740, %dma_wait3A_741] : memref<4096x16x128xf32, #tpu.memory_space<hbm>> -> memref<8x16x128xf32, #tpu.memory_space<hbm>>
    tpu.wait_dma2 semaphore(%arg18 : memref<!tpu.dma_semaphore, #tpu.memory_space<semaphore_mem>>) src(%arg6 : memref<8x16x128xf32, #tpu.memory_space<vmem>>) dst(%dma_wait3A_742 : memref<8x16x128xf32, #tpu.memory_space<hbm>>)
    %dma_start3A_743 = arith.constant 0 : i32
    %dma_start3A_744 = arith.constant 0 : i32
    %dma_start3A_745 = tpu.memref_slice %arg3[%add3A_736, %dma_start3A_743, %dma_start3A_744] : memref<4096x16x128xf32, #tpu.memory_space<hbm>> -> memref<8x16x128xf32, #tpu.memory_space<hbm>>
    %dma_start3A_746 = arith.constant 0 : i32
    %dma_start3A_747 = arith.constant 0 : i32
    %dma_start3A_748 = tpu.memref_slice %arg3[%add3A_736, %dma_start3A_746, %dma_start3A_747] : memref<4096x16x128xf32, #tpu.memory_space<hbm>> -> memref<8x16x128xf32, #tpu.memory_space<hbm>>
    tpu.enqueue_dma source(%dma_start3A_748 : memref<8x16x128xf32, #tpu.memory_space<hbm>>) target(%arg6 : memref<8x16x128xf32, #tpu.memory_space<vmem>>) target_semaphore(%arg12 : memref<!tpu.dma_semaphore, #tpu.memory_space<semaphore_mem>>)
    %add3A_749 = arith.constant 72 : i32
    %add3A_750 = arith.addi %mul3A_2, %add3A_749 : i32
    %dma_wait3A_751 = arith.constant 0 : i32
    %dma_wait3A_752 = arith.constant 0 : i32
    %dma_wait3A_753 = tpu.memref_slice %arg3[%add3A_596, %dma_wait3A_751, %dma_wait3A_752] : memref<4096x16x128xf32, #tpu.memory_space<hbm>> -> memref<8x16x128xf32, #tpu.memory_space<hbm>>
    %dma_wait3A_754 = arith.constant 0 : i32
    %dma_wait3A_755 = arith.constant 0 : i32
    %dma_wait3A_756 = tpu.memref_slice %arg3[%add3A_596, %dma_wait3A_754, %dma_wait3A_755] : memref<4096x16x128xf32, #tpu.memory_space<hbm>> -> memref<8x16x128xf32, #tpu.memory_space<hbm>>
    tpu.wait_dma2 semaphore(%arg13 : memref<!tpu.dma_semaphore, #tpu.memory_space<semaphore_mem>>) src(%dma_wait3A_756 : memref<8x16x128xf32, #tpu.memory_space<hbm>>) dst(%arg7 : memref<8x16x128xf32, #tpu.memory_space<vmem>>)
    %dma_start3A_757 = arith.constant 0 : i32
    %dma_start3A_758 = arith.constant 0 : i32
    %dma_start3A_759 = tpu.memref_slice %arg5[%add3A_750, %dma_start3A_757, %dma_start3A_758] : memref<4096x16x128xf32, #tpu.memory_space<hbm>> -> memref<8x16x128xf32, #tpu.memory_space<hbm>>
    %dma_start3A_760 = arith.constant 0 : i32
    %dma_start3A_761 = arith.constant 0 : i32
    %dma_start3A_762 = tpu.memref_slice %arg5[%add3A_750, %dma_start3A_760, %dma_start3A_761] : memref<4096x16x128xf32, #tpu.memory_space<hbm>> -> memref<8x16x128xf32, #tpu.memory_space<hbm>>
    tpu.enqueue_dma source(%arg7 : memref<8x16x128xf32, #tpu.memory_space<vmem>>) target(%dma_start3A_762 : memref<8x16x128xf32, #tpu.memory_space<hbm>>) target_semaphore(%arg19 : memref<!tpu.dma_semaphore, #tpu.memory_space<semaphore_mem>>)
    %add3A_763 = arith.constant 120 : i32
    %add3A_764 = arith.addi %mul3A_2, %add3A_763 : i32
    %dma_wait3A_765 = arith.constant 0 : i32
    %dma_wait3A_766 = arith.constant 0 : i32
    %dma_wait3A_767 = tpu.memref_slice %arg5[%add3A_750, %dma_wait3A_765, %dma_wait3A_766] : memref<4096x16x128xf32, #tpu.memory_space<hbm>> -> memref<8x16x128xf32, #tpu.memory_space<hbm>>
    %dma_wait3A_768 = arith.constant 0 : i32
    %dma_wait3A_769 = arith.constant 0 : i32
    %dma_wait3A_770 = tpu.memref_slice %arg5[%add3A_750, %dma_wait3A_768, %dma_wait3A_769] : memref<4096x16x128xf32, #tpu.memory_space<hbm>> -> memref<8x16x128xf32, #tpu.memory_space<hbm>>
    tpu.wait_dma2 semaphore(%arg19 : memref<!tpu.dma_semaphore, #tpu.memory_space<semaphore_mem>>) src(%arg7 : memref<8x16x128xf32, #tpu.memory_space<vmem>>) dst(%dma_wait3A_770 : memref<8x16x128xf32, #tpu.memory_space<hbm>>)
    %dma_start3A_771 = arith.constant 0 : i32
    %dma_start3A_772 = arith.constant 0 : i32
    %dma_start3A_773 = tpu.memref_slice %arg3[%add3A_764, %dma_start3A_771, %dma_start3A_772] : memref<4096x16x128xf32, #tpu.memory_space<hbm>> -> memref<8x16x128xf32, #tpu.memory_space<hbm>>
    %dma_start3A_774 = arith.constant 0 : i32
    %dma_start3A_775 = arith.constant 0 : i32
    %dma_start3A_776 = tpu.memref_slice %arg3[%add3A_764, %dma_start3A_774, %dma_start3A_775] : memref<4096x16x128xf32, #tpu.memory_space<hbm>> -> memref<8x16x128xf32, #tpu.memory_space<hbm>>
    tpu.enqueue_dma source(%dma_start3A_776 : memref<8x16x128xf32, #tpu.memory_space<hbm>>) target(%arg7 : memref<8x16x128xf32, #tpu.memory_space<vmem>>) target_semaphore(%arg13 : memref<!tpu.dma_semaphore, #tpu.memory_space<semaphore_mem>>)
    %add3A_777 = arith.constant 80 : i32
    %add3A_778 = arith.addi %mul3A_2, %add3A_777 : i32
    %dma_wait3A_779 = arith.constant 0 : i32
    %dma_wait3A_780 = arith.constant 0 : i32
    %dma_wait3A_781 = tpu.memref_slice %arg3[%add3A_624, %dma_wait3A_779, %dma_wait3A_780] : memref<4096x16x128xf32, #tpu.memory_space<hbm>> -> memref<8x16x128xf32, #tpu.memory_space<hbm>>
    %dma_wait3A_782 = arith.constant 0 : i32
    %dma_wait3A_783 = arith.constant 0 : i32
    %dma_wait3A_784 = tpu.memref_slice %arg3[%add3A_624, %dma_wait3A_782, %dma_wait3A_783] : memref<4096x16x128xf32, #tpu.memory_space<hbm>> -> memref<8x16x128xf32, #tpu.memory_space<hbm>>
    tpu.wait_dma2 semaphore(%arg14 : memref<!tpu.dma_semaphore, #tpu.memory_space<semaphore_mem>>) src(%dma_wait3A_784 : memref<8x16x128xf32, #tpu.memory_space<hbm>>) dst(%arg8 : memref<8x16x128xf32, #tpu.memory_space<vmem>>)
    %dma_start3A_785 = arith.constant 0 : i32
    %dma_start3A_786 = arith.constant 0 : i32
    %dma_start3A_787 = tpu.memref_slice %arg5[%add3A_778, %dma_start3A_785, %dma_start3A_786] : memref<4096x16x128xf32, #tpu.memory_space<hbm>> -> memref<8x16x128xf32, #tpu.memory_space<hbm>>
    %dma_start3A_788 = arith.constant 0 : i32
    %dma_start3A_789 = arith.constant 0 : i32
    %dma_start3A_790 = tpu.memref_slice %arg5[%add3A_778, %dma_start3A_788, %dma_start3A_789] : memref<4096x16x128xf32, #tpu.memory_space<hbm>> -> memref<8x16x128xf32, #tpu.memory_space<hbm>>
    tpu.enqueue_dma source(%arg8 : memref<8x16x128xf32, #tpu.memory_space<vmem>>) target(%dma_start3A_790 : memref<8x16x128xf32, #tpu.memory_space<hbm>>) target_semaphore(%arg20 : memref<!tpu.dma_semaphore, #tpu.memory_space<semaphore_mem>>)
    %dma_wait3A_791 = arith.constant 0 : i32
    %dma_wait3A_792 = arith.constant 0 : i32
    %dma_wait3A_793 = tpu.memref_slice %arg5[%add3A_778, %dma_wait3A_791, %dma_wait3A_792] : memref<4096x16x128xf32, #tpu.memory_space<hbm>> -> memref<8x16x128xf32, #tpu.memory_space<hbm>>
    %dma_wait3A_794 = arith.constant 0 : i32
    %dma_wait3A_795 = arith.constant 0 : i32
    %dma_wait3A_796 = tpu.memref_slice %arg5[%add3A_778, %dma_wait3A_794, %dma_wait3A_795] : memref<4096x16x128xf32, #tpu.memory_space<hbm>> -> memref<8x16x128xf32, #tpu.memory_space<hbm>>
    tpu.wait_dma2 semaphore(%arg20 : memref<!tpu.dma_semaphore, #tpu.memory_space<semaphore_mem>>) src(%arg8 : memref<8x16x128xf32, #tpu.memory_space<vmem>>) dst(%dma_wait3A_796 : memref<8x16x128xf32, #tpu.memory_space<hbm>>)
    %add3A_797 = arith.constant 88 : i32
    %add3A_798 = arith.addi %mul3A_2, %add3A_797 : i32
    %dma_wait3A_799 = arith.constant 0 : i32
    %dma_wait3A_800 = arith.constant 0 : i32
    %dma_wait3A_801 = tpu.memref_slice %arg3[%add3A_652, %dma_wait3A_799, %dma_wait3A_800] : memref<4096x16x128xf32, #tpu.memory_space<hbm>> -> memref<8x16x128xf32, #tpu.memory_space<hbm>>
    %dma_wait3A_802 = arith.constant 0 : i32
    %dma_wait3A_803 = arith.constant 0 : i32
    %dma_wait3A_804 = tpu.memref_slice %arg3[%add3A_652, %dma_wait3A_802, %dma_wait3A_803] : memref<4096x16x128xf32, #tpu.memory_space<hbm>> -> memref<8x16x128xf32, #tpu.memory_space<hbm>>
    tpu.wait_dma2 semaphore(%arg15 : memref<!tpu.dma_semaphore, #tpu.memory_space<semaphore_mem>>) src(%dma_wait3A_804 : memref<8x16x128xf32, #tpu.memory_space<hbm>>) dst(%arg9 : memref<8x16x128xf32, #tpu.memory_space<vmem>>)
    %dma_start3A_805 = arith.constant 0 : i32
    %dma_start3A_806 = arith.constant 0 : i32
    %dma_start3A_807 = tpu.memref_slice %arg5[%add3A_798, %dma_start3A_805, %dma_start3A_806] : memref<4096x16x128xf32, #tpu.memory_space<hbm>> -> memref<8x16x128xf32, #tpu.memory_space<hbm>>
    %dma_start3A_808 = arith.constant 0 : i32
    %dma_start3A_809 = arith.constant 0 : i32
    %dma_start3A_810 = tpu.memref_slice %arg5[%add3A_798, %dma_start3A_808, %dma_start3A_809] : memref<4096x16x128xf32, #tpu.memory_space<hbm>> -> memref<8x16x128xf32, #tpu.memory_space<hbm>>
    tpu.enqueue_dma source(%arg9 : memref<8x16x128xf32, #tpu.memory_space<vmem>>) target(%dma_start3A_810 : memref<8x16x128xf32, #tpu.memory_space<hbm>>) target_semaphore(%arg21 : memref<!tpu.dma_semaphore, #tpu.memory_space<semaphore_mem>>)
    %dma_wait3A_811 = arith.constant 0 : i32
    %dma_wait3A_812 = arith.constant 0 : i32
    %dma_wait3A_813 = tpu.memref_slice %arg5[%add3A_798, %dma_wait3A_811, %dma_wait3A_812] : memref<4096x16x128xf32, #tpu.memory_space<hbm>> -> memref<8x16x128xf32, #tpu.memory_space<hbm>>
    %dma_wait3A_814 = arith.constant 0 : i32
    %dma_wait3A_815 = arith.constant 0 : i32
    %dma_wait3A_816 = tpu.memref_slice %arg5[%add3A_798, %dma_wait3A_814, %dma_wait3A_815] : memref<4096x16x128xf32, #tpu.memory_space<hbm>> -> memref<8x16x128xf32, #tpu.memory_space<hbm>>
    tpu.wait_dma2 semaphore(%arg21 : memref<!tpu.dma_semaphore, #tpu.memory_space<semaphore_mem>>) src(%arg9 : memref<8x16x128xf32, #tpu.memory_space<vmem>>) dst(%dma_wait3A_816 : memref<8x16x128xf32, #tpu.memory_space<hbm>>)
    %add3A_817 = arith.constant 96 : i32
    %add3A_818 = arith.addi %mul3A_2, %add3A_817 : i32
    %dma_wait3A_819 = arith.constant 0 : i32
    %dma_wait3A_820 = arith.constant 0 : i32
    %dma_wait3A_821 = tpu.memref_slice %arg3[%add3A_680, %dma_wait3A_819, %dma_wait3A_820] : memref<4096x16x128xf32, #tpu.memory_space<hbm>> -> memref<8x16x128xf32, #tpu.memory_space<hbm>>
    %dma_wait3A_822 = arith.constant 0 : i32
    %dma_wait3A_823 = arith.constant 0 : i32
    %dma_wait3A_824 = tpu.memref_slice %arg3[%add3A_680, %dma_wait3A_822, %dma_wait3A_823] : memref<4096x16x128xf32, #tpu.memory_space<hbm>> -> memref<8x16x128xf32, #tpu.memory_space<hbm>>
    tpu.wait_dma2 semaphore(%arg16 : memref<!tpu.dma_semaphore, #tpu.memory_space<semaphore_mem>>) src(%dma_wait3A_824 : memref<8x16x128xf32, #tpu.memory_space<hbm>>) dst(%arg10 : memref<8x16x128xf32, #tpu.memory_space<vmem>>)
    %dma_start3A_825 = arith.constant 0 : i32
    %dma_start3A_826 = arith.constant 0 : i32
    %dma_start3A_827 = tpu.memref_slice %arg5[%add3A_818, %dma_start3A_825, %dma_start3A_826] : memref<4096x16x128xf32, #tpu.memory_space<hbm>> -> memref<8x16x128xf32, #tpu.memory_space<hbm>>
    %dma_start3A_828 = arith.constant 0 : i32
    %dma_start3A_829 = arith.constant 0 : i32
    %dma_start3A_830 = tpu.memref_slice %arg5[%add3A_818, %dma_start3A_828, %dma_start3A_829] : memref<4096x16x128xf32, #tpu.memory_space<hbm>> -> memref<8x16x128xf32, #tpu.memory_space<hbm>>
    tpu.enqueue_dma source(%arg10 : memref<8x16x128xf32, #tpu.memory_space<vmem>>) target(%dma_start3A_830 : memref<8x16x128xf32, #tpu.memory_space<hbm>>) target_semaphore(%arg22 : memref<!tpu.dma_semaphore, #tpu.memory_space<semaphore_mem>>)
    %dma_wait3A_831 = arith.constant 0 : i32
    %dma_wait3A_832 = arith.constant 0 : i32
    %dma_wait3A_833 = tpu.memref_slice %arg5[%add3A_818, %dma_wait3A_831, %dma_wait3A_832] : memref<4096x16x128xf32, #tpu.memory_space<hbm>> -> memref<8x16x128xf32, #tpu.memory_space<hbm>>
    %dma_wait3A_834 = arith.constant 0 : i32
    %dma_wait3A_835 = arith.constant 0 : i32
    %dma_wait3A_836 = tpu.memref_slice %arg5[%add3A_818, %dma_wait3A_834, %dma_wait3A_835] : memref<4096x16x128xf32, #tpu.memory_space<hbm>> -> memref<8x16x128xf32, #tpu.memory_space<hbm>>
    tpu.wait_dma2 semaphore(%arg22 : memref<!tpu.dma_semaphore, #tpu.memory_space<semaphore_mem>>) src(%arg10 : memref<8x16x128xf32, #tpu.memory_space<vmem>>) dst(%dma_wait3A_836 : memref<8x16x128xf32, #tpu.memory_space<hbm>>)
    %add3A_837 = arith.constant 104 : i32
    %add3A_838 = arith.addi %mul3A_2, %add3A_837 : i32
    %dma_wait3A_839 = arith.constant 0 : i32
    %dma_wait3A_840 = arith.constant 0 : i32
    %dma_wait3A_841 = tpu.memref_slice %arg3[%add3A_708, %dma_wait3A_839, %dma_wait3A_840] : memref<4096x16x128xf32, #tpu.memory_space<hbm>> -> memref<8x16x128xf32, #tpu.memory_space<hbm>>
    %dma_wait3A_842 = arith.constant 0 : i32
    %dma_wait3A_843 = arith.constant 0 : i32
    %dma_wait3A_844 = tpu.memref_slice %arg3[%add3A_708, %dma_wait3A_842, %dma_wait3A_843] : memref<4096x16x128xf32, #tpu.memory_space<hbm>> -> memref<8x16x128xf32, #tpu.memory_space<hbm>>
    tpu.wait_dma2 semaphore(%arg17 : memref<!tpu.dma_semaphore, #tpu.memory_space<semaphore_mem>>) src(%dma_wait3A_844 : memref<8x16x128xf32, #tpu.memory_space<hbm>>) dst(%arg11 : memref<8x16x128xf32, #tpu.memory_space<vmem>>)
    %dma_start3A_845 = arith.constant 0 : i32
    %dma_start3A_846 = arith.constant 0 : i32
    %dma_start3A_847 = tpu.memref_slice %arg5[%add3A_838, %dma_start3A_845, %dma_start3A_846] : memref<4096x16x128xf32, #tpu.memory_space<hbm>> -> memref<8x16x128xf32, #tpu.memory_space<hbm>>
    %dma_start3A_848 = arith.constant 0 : i32
    %dma_start3A_849 = arith.constant 0 : i32
    %dma_start3A_850 = tpu.memref_slice %arg5[%add3A_838, %dma_start3A_848, %dma_start3A_849] : memref<4096x16x128xf32, #tpu.memory_space<hbm>> -> memref<8x16x128xf32, #tpu.memory_space<hbm>>
    tpu.enqueue_dma source(%arg11 : memref<8x16x128xf32, #tpu.memory_space<vmem>>) target(%dma_start3A_850 : memref<8x16x128xf32, #tpu.memory_space<hbm>>) target_semaphore(%arg23 : memref<!tpu.dma_semaphore, #tpu.memory_space<semaphore_mem>>)
    %dma_wait3A_851 = arith.constant 0 : i32
    %dma_wait3A_852 = arith.constant 0 : i32
    %dma_wait3A_853 = tpu.memref_slice %arg5[%add3A_838, %dma_wait3A_851, %dma_wait3A_852] : memref<4096x16x128xf32, #tpu.memory_space<hbm>> -> memref<8x16x128xf32, #tpu.memory_space<hbm>>
    %dma_wait3A_854 = arith.constant 0 : i32
    %dma_wait3A_855 = arith.constant 0 : i32
    %dma_wait3A_856 = tpu.memref_slice %arg5[%add3A_838, %dma_wait3A_854, %dma_wait3A_855] : memref<4096x16x128xf32, #tpu.memory_space<hbm>> -> memref<8x16x128xf32, #tpu.memory_space<hbm>>
    tpu.wait_dma2 semaphore(%arg23 : memref<!tpu.dma_semaphore, #tpu.memory_space<semaphore_mem>>) src(%arg11 : memref<8x16x128xf32, #tpu.memory_space<vmem>>) dst(%dma_wait3A_856 : memref<8x16x128xf32, #tpu.memory_space<hbm>>)
    %add3A_857 = arith.constant 112 : i32
    %add3A_858 = arith.addi %mul3A_2, %add3A_857 : i32
    %dma_wait3A_859 = arith.constant 0 : i32
    %dma_wait3A_860 = arith.constant 0 : i32
    %dma_wait3A_861 = tpu.memref_slice %arg3[%add3A_736, %dma_wait3A_859, %dma_wait3A_860] : memref<4096x16x128xf32, #tpu.memory_space<hbm>> -> memref<8x16x128xf32, #tpu.memory_space<hbm>>
    %dma_wait3A_862 = arith.constant 0 : i32
    %dma_wait3A_863 = arith.constant 0 : i32
    %dma_wait3A_864 = tpu.memref_slice %arg3[%add3A_736, %dma_wait3A_862, %dma_wait3A_863] : memref<4096x16x128xf32, #tpu.memory_space<hbm>> -> memref<8x16x128xf32, #tpu.memory_space<hbm>>
    tpu.wait_dma2 semaphore(%arg12 : memref<!tpu.dma_semaphore, #tpu.memory_space<semaphore_mem>>) src(%dma_wait3A_864 : memref<8x16x128xf32, #tpu.memory_space<hbm>>) dst(%arg6 : memref<8x16x128xf32, #tpu.memory_space<vmem>>)
    %dma_start3A_865 = arith.constant 0 : i32
    %dma_start3A_866 = arith.constant 0 : i32
    %dma_start3A_867 = tpu.memref_slice %arg5[%add3A_858, %dma_start3A_865, %dma_start3A_866] : memref<4096x16x128xf32, #tpu.memory_space<hbm>> -> memref<8x16x128xf32, #tpu.memory_space<hbm>>
    %dma_start3A_868 = arith.constant 0 : i32
    %dma_start3A_869 = arith.constant 0 : i32
    %dma_start3A_870 = tpu.memref_slice %arg5[%add3A_858, %dma_start3A_868, %dma_start3A_869] : memref<4096x16x128xf32, #tpu.memory_space<hbm>> -> memref<8x16x128xf32, #tpu.memory_space<hbm>>
    tpu.enqueue_dma source(%arg6 : memref<8x16x128xf32, #tpu.memory_space<vmem>>) target(%dma_start3A_870 : memref<8x16x128xf32, #tpu.memory_space<hbm>>) target_semaphore(%arg18 : memref<!tpu.dma_semaphore, #tpu.memory_space<semaphore_mem>>)
    %dma_wait3A_871 = arith.constant 0 : i32
    %dma_wait3A_872 = arith.constant 0 : i32
    %dma_wait3A_873 = tpu.memref_slice %arg5[%add3A_858, %dma_wait3A_871, %dma_wait3A_872] : memref<4096x16x128xf32, #tpu.memory_space<hbm>> -> memref<8x16x128xf32, #tpu.memory_space<hbm>>
    %dma_wait3A_874 = arith.constant 0 : i32
    %dma_wait3A_875 = arith.constant 0 : i32
    %dma_wait3A_876 = tpu.memref_slice %arg5[%add3A_858, %dma_wait3A_874, %dma_wait3A_875] : memref<4096x16x128xf32, #tpu.memory_space<hbm>> -> memref<8x16x128xf32, #tpu.memory_space<hbm>>
    tpu.wait_dma2 semaphore(%arg18 : memref<!tpu.dma_semaphore, #tpu.memory_space<semaphore_mem>>) src(%arg6 : memref<8x16x128xf32, #tpu.memory_space<vmem>>) dst(%dma_wait3A_876 : memref<8x16x128xf32, #tpu.memory_space<hbm>>)
    %add3A_877 = arith.constant 120 : i32
    %add3A_878 = arith.addi %mul3A_2, %add3A_877 : i32
    %dma_wait3A_879 = arith.constant 0 : i32
    %dma_wait3A_880 = arith.constant 0 : i32
    %dma_wait3A_881 = tpu.memref_slice %arg3[%add3A_764, %dma_wait3A_879, %dma_wait3A_880] : memref<4096x16x128xf32, #tpu.memory_space<hbm>> -> memref<8x16x128xf32, #tpu.memory_space<hbm>>
    %dma_wait3A_882 = arith.constant 0 : i32
    %dma_wait3A_883 = arith.constant 0 : i32
    %dma_wait3A_884 = tpu.memref_slice %arg3[%add3A_764, %dma_wait3A_882, %dma_wait3A_883] : memref<4096x16x128xf32, #tpu.memory_space<hbm>> -> memref<8x16x128xf32, #tpu.memory_space<hbm>>
    tpu.wait_dma2 semaphore(%arg13 : memref<!tpu.dma_semaphore, #tpu.memory_space<semaphore_mem>>) src(%dma_wait3A_884 : memref<8x16x128xf32, #tpu.memory_space<hbm>>) dst(%arg7 : memref<8x16x128xf32, #tpu.memory_space<vmem>>)
    %dma_start3A_885 = arith.constant 0 : i32
    %dma_start3A_886 = arith.constant 0 : i32
    %dma_start3A_887 = tpu.memref_slice %arg5[%add3A_878, %dma_start3A_885, %dma_start3A_886] : memref<4096x16x128xf32, #tpu.memory_space<hbm>> -> memref<8x16x128xf32, #tpu.memory_space<hbm>>
    %dma_start3A_888 = arith.constant 0 : i32
    %dma_start3A_889 = arith.constant 0 : i32
    %dma_start3A_890 = tpu.memref_slice %arg5[%add3A_878, %dma_start3A_888, %dma_start3A_889] : memref<4096x16x128xf32, #tpu.memory_space<hbm>> -> memref<8x16x128xf32, #tpu.memory_space<hbm>>
    tpu.enqueue_dma source(%arg7 : memref<8x16x128xf32, #tpu.memory_space<vmem>>) target(%dma_start3A_890 : memref<8x16x128xf32, #tpu.memory_space<hbm>>) target_semaphore(%arg19 : memref<!tpu.dma_semaphore, #tpu.memory_space<semaphore_mem>>)
    %dma_wait3A_891 = arith.constant 0 : i32
    %dma_wait3A_892 = arith.constant 0 : i32
    %dma_wait3A_893 = tpu.memref_slice %arg5[%add3A_878, %dma_wait3A_891, %dma_wait3A_892] : memref<4096x16x128xf32, #tpu.memory_space<hbm>> -> memref<8x16x128xf32, #tpu.memory_space<hbm>>
    %dma_wait3A_894 = arith.constant 0 : i32
    %dma_wait3A_895 = arith.constant 0 : i32
    %dma_wait3A_896 = tpu.memref_slice %arg5[%add3A_878, %dma_wait3A_894, %dma_wait3A_895] : memref<4096x16x128xf32, #tpu.memory_space<hbm>> -> memref<8x16x128xf32, #tpu.memory_space<hbm>>
    tpu.wait_dma2 semaphore(%arg19 : memref<!tpu.dma_semaphore, #tpu.memory_space<semaphore_mem>>) src(%arg7 : memref<8x16x128xf32, #tpu.memory_space<vmem>>) dst(%dma_wait3A_896 : memref<8x16x128xf32, #tpu.memory_space<hbm>>)
    return
  }
}

</mosaic_0001>

<sc_bundles>
// kernel: kernel.3.cloned.1.call-start
scs
__scs_entry_jumppad:
0x0: {  	(pc) =	sbr.rel $0x88, $3  }
0x1: {  	(tag) =	ssettag $0x0;
	lr =	simm.s32 $0x1  }
0x2: {  	[smem:$0x3F9F] =	sst lr;
	_ =	strace $0xD0000000  }
0x3: {  	_ = 	snop  }
0x4: {  	_ = 	snop  }
0x5: {  	_ = 	snop  }
0x6: {  	_ = 	snop  }
0x7: {  	_ = 	snop  }
__scs_overlays_trampoline_lowered:
0x8: {  	[smem:$0x3FAE] =	sst s0  }
0x9: {  	[smem:$0x3FAF] =	sst s1  }
0xa: {  	[smem:$0x3FB0] =	sst s2  }
0xb: {  	[smem:$0x3FB1] =	sst s3  }
0xc: {  	[smem:$0x3FB2] =	sst s4  }
0xd: {  	[smem:$0x3FB3] =	sst s5  }
0xe: {  	[smem:$0x3FB4] =	sst s6  }
0xf: {  	[smem:$0x3FB5] =	sst s7  }
0x10: {  	[smem:$0x3FB6] =	sst s8  }
0x11: {  	[smem:$0x3FB7] =	sst s9;
	s0 =	simm.s32 @!p0 $0x0  }
0x12: {  	s1 =	sld [smem:$0x3F9D];
	s0 =	simm.s32 @p0 $0x1  }
0x13: {  	[smem:$0x3FB8] =	sst s0;
	s0 =	simm.s32 @!p1 $0x0  }
0x14: {  	s2 =	sld [smem:$0x3F9C];
	s0 =	simm.s32 @p1 $0x1  }
0x15: {  	[smem:$0x3FB9] =	sst s0;
	s0 =	simm.s32 @!p2 $0x0  }
0x16: {  	s3 =	sld [smem:$0x3FDB];
	s0 =	simm.s32 @p2 $0x1  }
0x17: {  	s4 =	simm.s32 $0x1BF5;
	[smem:$0x3FBB] =	sst s0  }
0x18: {  	s0 =	sld [smem:$0x3F9E];
	_ =	swait.ge [sflag:s4], $0x0  }
0x19: {  	s7 =	sld [smem:$0x3F9F]  }
0x1a: {  	s8 =	sadd.s32 $0xFFFFE003, lr  }
0x1b: {  	s9 =	sadd.s32 $0xFFFFFEF7, lr;
	s5 =	simm.s32 $0xFFFFFFFF;
	p2 =	slt.u32 s8, $0xFFFFF086  }
0x1c: {  	p1 =	slt.u32 s9, $0xF7A;
	s5 =	simm.s32 @!p2 $0x0  }
0x1d: {  	s5 =	simm.s32 @p1 $0x1;
	p0 =	seq.s32 s7, s2  }
0x1e: {  	s7 =	smul.u32 @!p0 $0xF7A, s2;
	p2 =	seq.s32 @!p0 s5, $0x0  }
0x1f: {  	s9 =	smul.u32 $0xF7A, s1;
	s8 =	simm.s32 @!p0 $0x1BF5;
	p2 =	por !p2, p0  }
0x20: {  	[sflag:s8] =	ssyncset.s32 @!p0 $0xFFFFF086;
	s6 =	sadd.s32 @!p0 s3, s7;
	s7 =	simm.s32 @!p0 $0x108  }
0x21: {  	s3 =	sadd.s32 s3, s9;
	s6 =	sadd.s32 @!p0 $0x88, s6;
	s7 =	simm.s32 @p2 $0x1082  }
0x22: {  	[simem:s7], [sflag:s8] =	dma.local @!p0 [hbm:s6], $0xF7A  }
0x23: {  	s9 =	sor.u32 $0xD0000000, s2;
	s6 =	simm.s32 $0x108;
	_ =	swait.ge @!p0 [sflag:s8], $0x0  }
0x24: {  	s3 =	sadd.s32 $0x88, s3;
	s6 =	simm.s32 @!p1 $0x1082;
	[sflag:s4] =	ssyncset.s32 $0xFFFFF086  }
0x25: {  	[simem:s6], [sflag:s4] =	dma.local [hbm:s3], $0xF7A  }
0x26: {  	[smem:$0x3F9F] =	sst s1;
	(tag) =	ssettag s2;
	_ =	strace s9  }
0x27: {  	s1 =	sld [smem:$0x3FAF]  }
0x28: {  	s2 =	sld [smem:$0x3FB0]  }
0x29: {  	s4 =	sld [smem:$0x3FB2]  }
0x2a: {  	p0 =	seq.s32 s5, $0x0;
	s5 =	sld [smem:$0x3FB3]  }
0x2b: {  	s6 =	sld [smem:$0x3FB4]  }
0x2c: {  	s7 =	sld [smem:$0x3FB5]  }
0x2d: {  	s3 =	simm.s32 $0x108;
	s8 =	sld [smem:$0x3FB6]  }
0x2e: {  	s3 =	simm.s32 @!p0 $0x1082;
	s9 =	sld [smem:$0x3FB7]  }
0x2f: {  	lr =	sadd.s32 s0, s3;
	s0 =	sld [smem:$0x3FAE]  }
0x30: {  	s3 =	sld [smem:$0x3FB1]  }
0x31: {  	[smem:$0x3FBA] =	sst s10  }
0x32: {  	s10 =	sld [smem:$0x3FB8];
	_ =	sdelay $0x3  }
0x33: {  	p0 =	seq.s32 s10, $0x1;
	s10 =	sld [smem:$0x3FBA];
	_ =	sdelay $0x3  }
0x34: {  	[smem:$0x3FBA] =	sst s10  }
0x35: {  	s10 =	sld [smem:$0x3FB9];
	_ =	sdelay $0x3  }
0x36: {  	p1 =	seq.s32 s10, $0x1;
	s10 =	sld [smem:$0x3FBA];
	_ =	sdelay $0x3  }
0x37: {  	[smem:$0x3FBA] =	sst s10  }
0x38: {  	s10 =	sld [smem:$0x3FBB]  }
0x39: {  	_ = 	snop;
	(pc) =	sbr.ind lr, $3  }
0x3a: {  	_ = 	snop  }
0x3b: {  	_ = 	snop  }
0x3c: {  	p2 =	seq.s32 s10, $0x1;
	s10 =	sld [smem:$0x3FBA]  }
0x3d: {  	_ =	shalt  }
0x3e: {  	_ =	shalt  }
0x3f: {  	_ =	shalt  }
0x40: {  	_ =	shalt  }
0x41: {  	_ =	shalt  }
0x42: {  	_ =	shalt  }
0x43: {  	_ =	shalt  }
0x44: {  	_ =	shalt  }
0x45: {  	_ =	shalt  }
0x46: {  	_ =	shalt  }
0x47: {  	_ =	shalt  }
0x48: {  	_ =	shalt  }
0x49: {  	_ =	shalt  }
0x4a: {  	_ =	shalt  }
0x4b: {  	_ =	shalt  }
0x4c: {  	_ =	shalt  }
0x4d: {  	_ =	shalt  }
0x4e: {  	_ =	shalt  }
0x4f: {  	_ =	shalt  }
0x50: {  	_ =	shalt  }
0x51: {  	_ =	shalt  }
0x52: {  	_ =	shalt  }
0x53: {  	_ =	shalt  }
0x54: {  	_ =	shalt  }
0x55: {  	_ =	shalt  }
0x56: {  	_ =	shalt  }
0x57: {  	_ =	shalt  }
0x58: {  	_ =	shalt  }
0x59: {  	_ =	shalt  }
0x5a: {  	_ =	shalt  }
0x5b: {  	_ =	shalt  }
0x5c: {  	_ =	shalt  }
0x5d: {  	_ =	shalt  }
0x5e: {  	_ =	shalt  }
0x5f: {  	_ =	shalt  }
0x60: {  	_ =	shalt  }
0x61: {  	_ =	shalt  }
0x62: {  	_ =	shalt  }
0x63: {  	_ =	shalt  }
0x64: {  	_ =	shalt  }
0x65: {  	_ =	shalt  }
0x66: {  	_ =	shalt  }
0x67: {  	_ =	shalt  }
0x68: {  	_ =	shalt  }
0x69: {  	_ =	shalt  }
0x6a: {  	_ =	shalt  }
0x6b: {  	_ =	shalt  }
0x6c: {  	_ =	shalt  }
0x6d: {  	_ =	shalt  }
0x6e: {  	_ =	shalt  }
0x6f: {  	_ =	shalt  }
0x70: {  	_ =	shalt  }
0x71: {  	_ =	shalt  }
0x72: {  	_ =	shalt  }
0x73: {  	_ =	shalt  }
0x74: {  	_ =	shalt  }
0x75: {  	_ =	shalt  }
0x76: {  	_ =	shalt  }
0x77: {  	_ =	shalt  }
0x78: {  	_ =	shalt  }
0x79: {  	_ =	shalt  }
0x7a: {  	_ =	shalt  }
0x7b: {  	_ =	shalt  }
0x7c: {  	_ =	shalt  }
0x7d: {  	_ =	shalt  }
0x7e: {  	_ =	shalt  }
0x7f: {  	_ =	shalt  }
0x80: {  	_ =	shalt  }
0x81: {  	_ =	shalt  }
0x82: {  	_ =	shalt  }
0x83: {  	_ =	shalt  }
0x84: {  	_ =	shalt  }
0x85: {  	_ =	shalt  }
0x86: {  	_ =	shalt  }
0x87: {  	_ =	shalt  }
.Lfunc_end0:
.L_simem_size_0:
called_computation_lowered:
.L_overlay_start_0:
0x88: {  	s2 =	sld [smem:$0x3FD9]  }
0x89: {  	s3 =	sld [smem:$0x3FFE];
	_ =	sdelay $0x1  }
0x8a: {  	s1 =	srdreg.scid  }
0x8b: {  	s0 =	sand.u32 $0x1, s1  }
0x8c: {  	s15 =	sshll.u32 s0, $0xA;
	s2 =	sadd.s32 s3, s2  }
0x8d: {  	s2 =	sadd.s32 s2, s15  }
0x8e: {  	[smem:$0x3FC6] =	sst s2  }
0x8f: {  	_ = 	snop  }
0x90: {  	s2 =	sld [smem:$0x3FD0];
	_ =	sdelay $0x1  }
0x91: {  	s16 =	sld [smem:$0x3FC9]  }
0x92: {  	s5 =	simm.s32 $0xA;
	s6 =	simm.s32 $0x10;
	s4 =	sld [smem:$0x3FC8]  }
0x93: {  	[smem:s6], [sflag:s5] =	dma.local [hbm:s2], $0x1  }
0x94: {  	_ =	swait.eq [sflag:s5], $0x1  }
0x95: {  	[sflag:s5] =	ssyncset.done $0x0  }
0x96: {  	s17 =	sld [smem:$0x10];
	[sflag:s5] =	ssyncadd.s32 $0xFFFFFFFF  }
0x97: {  	s18 =	sld [smem:$0x11];
	(tm) =	ssettm $0x1  }
0x98: {  	s19 =	sld [smem:$0x3FFB];
	_ =	sdelay $0x3  }
0x99: {  	_ =	strace s19  }
0x9a: {  	s6 =	sld [smem:$0x3FFC];
	_ =	sdelay $0x3  }
0x9b: {  	_ =	strace s6  }
0x9c: {  	s6 =	sld [smem:$0x3FFD];
	_ =	sdelay $0x3  }
0x9d: {  	_ =	strace s6  }
0x9e: {  	_ =	strace $0x8FFFFFFF  }
0x9f: {  	s20 =	sld [smem:$0x3FDB];
	_ =	sdelay $0x1  }
0xa0: {  	s7 =	simm.s32 $_scs_section_size  }
0xa1: {  	s8 =	simm.s32 $_size__tile_overlayer_lowered;
	s9 =	simm.s32 $_tile_overlayer_lowered  }
0xa2: {  	s23 =	simm.s32 $0x1BFF;
	s22 =	sshll.u32 s9, $0x1;
	s6 =	sadd.s32 s7, s20  }
0xa3: {  	s10 =	simm.s32 $0x0;
	s21 =	sshll.u32 s8, $0x1;
	s8 =	sadd.s32 s22, s6  }
0xa4: {  	[timem:s10], [sflag:s23] =	dma.local [hbm:s8], s21  }
0xa5: {  	_ =	swait.ge [sflag:s23], s21  }
0xa6: {  	s7 =	ssub.s32 $0x0, s21;
	[sflag:s23] =	ssyncset.done $0x0  }
0xa7: {  	[sflag:s23] =	ssyncadd.s32 s7;
	_ =	sdelay $0x1  }
0xa8: {  	s24 =	simm.s32 $0x1B8B  }
0xa9: {  	_ =	swait.ge [sflag:s24], $0x1  }
0xaa: {  	[sflag:s24] =	ssyncset.done $0x0  }
0xab: {  	s25 =	simm.s32 $0x1B8E;
	[sflag:s24] =	ssyncadd.s32 $0xFFFFFFFF  }
0xac: {  	s26 =	simm.s32 $execute0_lowered;
	[smem:$0x3FD2] =	sst s25  }
0xad: {  	s7 =	sshll.u32 s26, $0x1;
	_ =	strace $0x80000046;
	[dreg:$0x1] =	wrdreg $0xFFFFFFFF  }
0xae: {  	s28 =	simm.s32 $_size_execute0_lowered;
	s6 =	sadd.s32 s6, s7;
	[dreg:$0x0] =	wrdreg $0x0  }
0xaf: {  	s7 =	sshll.u32 s28, $0x1;
	[dreg:$0x2] =	wrdreg s6  }
0xb0: {  	[dreg:$0x3] =	wrdreg s7  }
0xb1: {  	[dreg:$0x4] =	wrdreg $0xC0  }
0xb2: {  	_ =	task [dreg:s10], $0x5FFFF  }
0xb3: {  	[dreg:$0x1] =	wrdreg $0xFFFFFFFF  }
0xb4: {  	[dreg:$0x0] =	wrdreg $0x60  }
0xb5: {  	[dreg:$0x2] =	wrdreg s16  }
0xb6: {  	[dreg:$0x3] =	wrdreg s4  }
0xb7: {  	[dreg:$0x4] =	wrdreg s17  }
0xb8: {  	[dreg:$0x5] =	wrdreg s18  }
0xb9: {  	[dreg:$0x6] =	wrdreg $0x9  }
0xba: {  	_ =	task.clear_ibuf [dreg:s10], $0x7FFFF;
	_ =	strace $0x90000046  }
0xbb: {  	s29 =	simm.s32 $0x9;
	_ =	strace $0x80000048  }
0xbc: {  	_ =	swait.ge [sflag:s29], $0x1  }
0xbd: {  	[sflag:s29] =	ssyncadd.s32 $0xFFFFFFFF  }
0xbe: {  	_ =	strace $0x90000048  }
0xbf: {  	_ =	sfence  }
0xc0: {  	s30 =	sld [smem:$0x0];
	_ =	sdelay $0x2  }
0xc1: {  	s31 =	sshll.u32 s1, $0xD;
	s1 =	sshrl.u32 s1, $0x2  }
0xc2: {  	s3 =	sand.u32 $0x4000, s31;
	s1 =	sadd.s32 s1, s30  }
0xc3: {  	s0 =	sor.u32 s3, s0;
	s1 =	sshll.u32 s1, $0x11  }
0xc4: {  	s0 =	sor.u32 s1, s0  }
0xc5: {  	s0 =	sadd.s32 $0x8F2B, s0  }
0xc6: {  	[sflag:s0] =	ssyncadd.remote.s32 $0x1  }
0xc7: {  	_ =	sfence.sel $0xFFFF  }
0xc8: {  	[dreg:$0x0] =	wrdreg $0xFFFFFFFF;
	(pc) =	sbr.abs _section_cstart, $3  }
0xc9: {  	[dreg:$0x1] =	wrdreg $0xFFFFFFFF  }
0xca: {  	_ =	task.clear_ibuf [dreg:s10], $0x2FFFF;
	_ =	strace $0x9FFFFFFF  }
0xcb: {  	(tm) =	ssettm $0x7FFFFFFF  }
tec
execute0_lowered:
.L_overlay_start_1:
0x0: {  	(tag) =	ssettag $0x1  }
0x1: {  	s18 =	rddreg [dreg:$0x0]  }
0x2: {  	s3 =	rddreg [dreg:$0x1];
	s1 =	srdreg.scid  }
0x3: {  	s5 =	rddreg [dreg:$0x2];
	s6 =	stileid.u32;
	s4 =	sand.u32 $0x1, s1  }
0x4: {  	s2 =	simm.s32 $0x0;
	s6 =	sshll.u32 s6, $0x10;
	s7 =	sshll.u32 s4, $0xF  }
0x5: {  	[smem:$0x7FF] =	sst s2;
	s15 =	sor.u32 s7, s6  }
0x6: {  	s0 =	rddreg [dreg:$0x3];
	_ =	strace $0x80000047;
	s1 =	sadd.s32 s18, s15  }
0x7: {  	s13 =	sor.u32 $0x800, s15;
	s17 =	sadd.s32 s5, s15;
	[dreg:$0x5] =	wrdreg s1  }
0x8: {  	s12 =	sor.u32 $0x1000, s15;
	s8 =	sadd.s32 s18, s13;
	[dreg:$0xb] =	wrdreg s17  }
0x9: {  	s11 =	sor.u32 $0x1800, s15;
	s9 =	sadd.s32 s18, s12;
	[dreg:$0x6] =	wrdreg s8  }
0xa: {  	s6 =	sor.u32 $0x2800, s15;
	s10 =	sadd.s32 s18, s11;
	[dreg:$0x7] =	wrdreg s9  }
0xb: {  	s16 =	sadd.s32 s18, s6;
	[dreg:$0x8] =	wrdreg s10  }
0xc: {  	s7 =	sor.u32 $0x3800, s15;
	s20 =	sadd.s32 s5, s13;
	[dreg:$0xa] =	wrdreg s16  }
0xd: {  	s21 =	sadd.s32 s18, s7;
	[dreg:$0xd] =	wrdreg s20  }
0xe: {  	s22 =	sadd.s32 s5, s12;
	[dreg:$0xe] =	wrdreg s21  }
0xf: {  	s24 =	sadd.s32 s5, s11;
	[dreg:$0xf] =	wrdreg s22  }
0x10: {  	s8 =	sor.u32 $0x2000, s15;
	[dreg:$0x11] =	wrdreg s24  }
0x11: {  	s9 =	sor.u32 $0x3000, s15;
	s1 =	rddreg [dreg:$0x5];
	s14 =	sadd.s32 s18, s8  }
0x12: {  	s10 =	sor.u32 $0x4000, s15;
	s19 =	sadd.s32 s18, s9;
	[dreg:$0x9] =	wrdreg s14  }
0x13: {  	s23 =	sadd.s32 s18, s10;
	[dreg:$0xc] =	wrdreg s19  }
0x14: {  	s16 =	sor.u32 $0x5000, s15;
	s26 =	sadd.s32 s5, s8;
	[dreg:$0x10] =	wrdreg s23  }
0x15: {  	s17 =	sadd.s32 s18, s16;
	[dreg:$0x13] =	wrdreg s26  }
0x16: {  	s21 =	sadd.s32 s5, s9;
	[dreg:$0x14] =	wrdreg s17  }
0x17: {  	s19 =	sadd.s32 s5, s6;
	[dreg:$0x17] =	wrdreg s21  }
0x18: {  	s14 =	sor.u32 $0x4800, s15;
	s23 =	sadd.s32 s5, s7;
	[dreg:$0x15] =	wrdreg s19  }
0x19: {  	s17 =	sor.u32 $0x5800, s15;
	s25 =	sadd.s32 s18, s14;
	[dreg:$0x19] =	wrdreg s23  }
0x1a: {  	s21 =	sor.u32 $0x6800, s15;
	s20 =	sadd.s32 s18, s17;
	[dreg:$0x12] =	wrdreg s25  }
0x1b: {  	s19 =	sor.u32 $0x6000, s15;
	s24 =	sadd.s32 s18, s21;
	[dreg:$0x16] =	wrdreg s20  }
0x1c: {  	s22 =	sadd.s32 s18, s19;
	[dreg:$0x1a] =	wrdreg s24  }
0x1d: {  	s25 =	sadd.s32 s5, s10;
	[dreg:$0x18] =	wrdreg s22  }
0x1e: {  	s20 =	sadd.s32 s5, s14;
	s24 =	sor.u32 $0x7800, s15;
	[dreg:$0x1b] =	wrdreg s25  }
0x1f: {  	[dreg:$0x1d] =	wrdreg s20;
	s23 =	sadd.s32 s18, s24  }
0x20: {  	s25 =	sadd.s32 s5, s16;
	[dreg:$0x1e] =	wrdreg s23  }
0x21: {  	s22 =	sor.u32 $0x7000, s15;
	s20 =	sadd.s32 s3, s13;
	[dreg:$0x1f] =	wrdreg s25  }
0x22: {  	s26 =	sadd.s32 s18, s22;
	[smem:$0x7E6] =	sst s20  }
0x23: {  	s18 =	sadd.s32 s5, s17;
	[dreg:$0x1c] =	wrdreg s26  }
0x24: {  	s23 =	sadd.s32 s5, s19;
	[smem:$0x7E5] =	sst s18  }
0x25: {  	s25 =	sadd.s32 s3, s12;
	[smem:$0x7E7] =	sst s23  }
0x26: {  	s20 =	sadd.s32 s5, s22;
	[smem:$0x7E8] =	sst s25  }
0x27: {  	s26 =	sadd.s32 s3, s15;
	[smem:$0x7EB] =	sst s20  }
0x28: {  	s18 =	sadd.s32 s3, s11;
	[smem:$0x7E4] =	sst s26  }
0x29: {  	s23 =	sadd.s32 s3, s8;
	[smem:$0x7EA] =	sst s18  }
0x2a: {  	s25 =	sadd.s32 s5, s24;
	[smem:$0x7EC] =	sst s23  }
0x2b: {  	s20 =	sadd.s32 s3, s7;
	[smem:$0x7ED] =	sst s25  }
0x2c: {  	s31 =	simm.s32 $0x3;
	s26 =	sadd.s32 s5, s21;
	[smem:$0x7F2] =	sst s20  }
0x2d: {  	s28 =	simm.s32 $0x9;
	s5 =	sadd.s32 s0, s15;
	[smem:$0x7E9] =	sst s26  }
0x2e: {  	p0 =	por $0x0, $0x0;
	s15 =	sadd.s32 s3, s9;
	[smem:$0x7EF] =	sst s5  }
0x2f: {  	s30 =	simm.s32 $0x4;
	s18 =	sadd.s32 s0, s13;
	[smem:$0x7F0] =	sst s15  }
0x30: {  	s4 =	ssub.s32 $0x2, s4;
	s23 =	sadd.s32 s0, s12;
	[smem:$0x7F1] =	sst s18  }
0x31: {  	s29 =	sadd.s32 s3, s21;
	s25 =	sadd.s32 s3, s10;
	[smem:$0x7F3] =	sst s23  }
0x32: {  	s12 =	sadd.s32 s3, s16;
	s13 =	sadd.s32 s0, s6;
	[smem:$0x7F4] =	sst s25  }
0x33: {  	s20 =	sadd.s32 s3, s19;
	s26 =	sadd.s32 s3, s6;
	[smem:$0x7F8] =	sst s12  }
0x34: {  	s5 =	sadd.s32 s3, s14;
	[smem:$0x7F9] =	sst s13;
	s15 =	sadd.s32 s3, s17  }
0x35: {  	s18 =	sadd.s32 s0, s9;
	s23 =	sshrl.u32 s4, $0x1;
	[smem:$0x7FC] =	sst s20  }
0x36: {  	s25 =	sadd.s32 s0, s7;
	s20 =	sadd.s32 s0, s14;
	s13 =	sadd.s32 s0, s17  }
0x37: {  	s14 =	simm.s32 $0x10000;
	s12 =	simm.s32 $0x14000;
	[smem:$0x7EE] =	sst s26  }
0x38: {  	s9 =	simm.s32 $0x7;
	s7 =	simm.s32 $0x2;
	[smem:$0x7F6] =	sst s5  }
0x39: {  	s6 =	simm.s32 $0x8;
	s17 =	simm.s32 $0xC;
	[smem:$0x7FA] =	sst s15  }
0x3a: {  	s26 =	sadd.s32 s0, s11;
	s11 =	sadd.s32 s0, s8;
	[smem:$0x7FB] =	sst s18  }
0x3b: {  	s4 =	ssub.s32 s4, s23;
	[smem:$0x7FD] =	sst s25;
	s25 =	sadd.s32 s0, s10  }
0x3c: {  	s23 =	sadd.s32 s3, s22;
	[smem:$0x7F5] =	sst s26;
	s26 =	smax.u32 s4, $0x1  }
0x3d: {  	s18 =	sadd.s32 s3, s24;
	s15 =	sadd.s32 s0, s16;
	p1 =	sne.s32 s26, $0x1  }
.Ltmp0:
0x3e: {  	s8 =	sadd.s32 s0, s21;
	s5 =	sadd.s32 s0, s22;
	(pc) =	sbr.rel @!p1 .LBB2_3-.Ltmp0, $4  }
0x3f: {  	s3 =	sadd.s32 s0, s24;
	s22 =	simm.s32 $0x8000;
	s16 =	simm.s32 $0xC000  }
0x40: {  	s10 =	simm.s32 $0x1;
	s24 =	simm.s32 $0x5;
	s21 =	simm.s32 $0xB  }
0x41: {  	[smem:$0x7F7] =	sst s11;
	s11 =	sadd.s32 s0, s19;
	s4 =	simm.s32 $0x4000  }
0x42: {  	s19 =	simm.s32 $0x6;
	s0 =	sadd.s32 $0xFFFFFFFF, s26;
	s26 =	simm.s32 $0xA  }
0x43: {  	[smem:$0x7E3] =	sst s0  }
0x44: {  	[tilespmem:s2], [sflag:$0x1] =	stream.linear.gather [hbm4b:s1+s2], $0x4000, $0x38;
	[tilespmem:$0x18000] =	vst v63  }
0x45: {  	s0 =	rddreg [dreg:$0x6]  }
0x46: {  	[tilespmem:s4], [sflag:$0x2] =	stream.linear.gather [hbm4b:s0+s2], $0x4000, $0x38;
	[tilespmem:$0x18000] =	vst v63  }
0x47: {  	s1 =	rddreg [dreg:$0x7]  }
0x48: {  	[tilespmem:s22], [sflag:$0x3] =	stream.linear.gather [hbm4b:s1+s2], $0x4000, $0x38;
	[tilespmem:$0x18000] =	vst v63  }
0x49: {  	s0 =	rddreg [dreg:$0x8]  }
0x4a: {  	[tilespmem:s16], [sflag:$0x4] =	stream.linear.gather [hbm4b:s0+s2], $0x4000, $0x38;
	[tilespmem:$0x18000] =	vst v63  }
0x4b: {  	s1 =	rddreg [dreg:$0x9]  }
0x4c: {  	[tilespmem:s14], [sflag:$0x5] =	stream.linear.gather [hbm4b:s1+s2], $0x4000, $0x38;
	[tilespmem:$0x18000] =	vst v63  }
0x4d: {  	s0 =	rddreg [dreg:$0xa]  }
0x4e: {  	[tilespmem:s12], [sflag:$0x6] =	stream.linear.gather [hbm4b:s0+s2], $0x4000, $0x38;
	[tilespmem:$0x18000] =	vst v63  }
0x4f: {  	_ =	swait.ge [sflag:s10], $0x4000  }
0x50: {  	[sflag:s10] =	ssyncset.done $0x0  }
0x51: {  	s1 =	rddreg [dreg:$0xb];
	[sflag:s10] =	ssyncadd.s32 $0xFFFFC000  }
0x52: {  	[hbm4b:s1+s2] =	stream.linear.scatter [tilespmem:s2], [sflag:$0x7], $0x4000, $0x38;
	[tilespmem:$0x18000] =	vst v63  }
0x53: {  	_ =	swait.ge [sflag:s9], $0x4000  }
0x54: {  	[sflag:s9] =	ssyncset.done $0x0  }
0x55: {  	s1 =	rddreg [dreg:$0xc];
	[sflag:s9] =	ssyncadd.s32 $0xFFFFC000  }
0x56: {  	[tilespmem:s2], [sflag:$0x1] =	stream.linear.gather [hbm4b:s1+s2], $0x4000, $0x38;
	[tilespmem:$0x18000] =	vst v63  }
0x57: {  	_ =	swait.ge [sflag:s7], $0x4000  }
0x58: {  	[sflag:s7] =	ssyncset.done $0x0  }
0x59: {  	s1 =	rddreg [dreg:$0xd];
	[sflag:s7] =	ssyncadd.s32 $0xFFFFC000  }
0x5a: {  	[hbm4b:s1+s2] =	stream.linear.scatter [tilespmem:s4], [sflag:$0x8], $0x4000, $0x38;
	[tilespmem:$0x18000] =	vst v63  }
0x5b: {  	_ =	swait.ge [sflag:s6], $0x4000  }
0x5c: {  	[sflag:s6] =	ssyncset.done $0x0  }
0x5d: {  	s1 =	rddreg [dreg:$0xe];
	[sflag:s6] =	ssyncadd.s32 $0xFFFFC000  }
0x5e: {  	[tilespmem:s4], [sflag:$0x2] =	stream.linear.gather [hbm4b:s1+s2], $0x4000, $0x38;
	[tilespmem:$0x18000] =	vst v63  }
0x5f: {  	_ =	swait.ge [sflag:s31], $0x4000  }
0x60: {  	[sflag:s31] =	ssyncset.done $0x0  }
0x61: {  	s1 =	rddreg [dreg:$0xf];
	[sflag:s31] =	ssyncadd.s32 $0xFFFFC000  }
0x62: {  	[hbm4b:s1+s2] =	stream.linear.scatter [tilespmem:s22], [sflag:$0x9], $0x4000, $0x38;
	[tilespmem:$0x18000] =	vst v63  }
0x63: {  	_ =	swait.ge [sflag:s28], $0x4000  }
0x64: {  	[sflag:s28] =	ssyncset.done $0x0  }
0x65: {  	s1 =	rddreg [dreg:$0x10];
	[sflag:s28] =	ssyncadd.s32 $0xFFFFC000  }
0x66: {  	[tilespmem:s22], [sflag:$0x3] =	stream.linear.gather [hbm4b:s1+s2], $0x4000, $0x38;
	[tilespmem:$0x18000] =	vst v63  }
0x67: {  	_ =	swait.ge [sflag:s30], $0x4000  }
0x68: {  	[sflag:s30] =	ssyncset.done $0x0  }
0x69: {  	s1 =	rddreg [dreg:$0x11];
	[sflag:s30] =	ssyncadd.s32 $0xFFFFC000  }
0x6a: {  	[hbm4b:s1+s2] =	stream.linear.scatter [tilespmem:s16], [sflag:$0xA], $0x4000, $0x38;
	[tilespmem:$0x18000] =	vst v63  }
0x6b: {  	_ =	swait.ge [sflag:s26], $0x4000  }
0x6c: {  	[sflag:s26] =	ssyncset.done $0x0  }
0x6d: {  	s1 =	rddreg [dreg:$0x12];
	[sflag:s26] =	ssyncadd.s32 $0xFFFFC000  }
0x6e: {  	[tilespmem:s16], [sflag:$0x4] =	stream.linear.gather [hbm4b:s1+s2], $0x4000, $0x38;
	[tilespmem:$0x18000] =	vst v63  }
0x6f: {  	_ =	swait.ge [sflag:s24], $0x4000  }
0x70: {  	[sflag:s24] =	ssyncset.done $0x0  }
0x71: {  	s1 =	rddreg [dreg:$0x13];
	[sflag:s24] =	ssyncadd.s32 $0xFFFFC000  }
0x72: {  	[hbm4b:s1+s2] =	stream.linear.scatter [tilespmem:s14], [sflag:$0xB], $0x4000, $0x38;
	[tilespmem:$0x18000] =	vst v63  }
0x73: {  	_ =	swait.ge [sflag:s21], $0x4000  }
0x74: {  	[sflag:s21] =	ssyncset.done $0x0  }
0x75: {  	s1 =	rddreg [dreg:$0x14];
	[sflag:s21] =	ssyncadd.s32 $0xFFFFC000  }
0x76: {  	[tilespmem:s14], [sflag:$0x5] =	stream.linear.gather [hbm4b:s1+s2], $0x4000, $0x38;
	[tilespmem:$0x18000] =	vst v63  }
0x77: {  	_ =	swait.ge [sflag:s19], $0x4000  }
0x78: {  	[sflag:s19] =	ssyncset.done $0x0  }
0x79: {  	s1 =	rddreg [dreg:$0x15];
	[sflag:s19] =	ssyncadd.s32 $0xFFFFC000  }
0x7a: {  	[hbm4b:s1+s2] =	stream.linear.scatter [tilespmem:s12], [sflag:$0xC], $0x4000, $0x38;
	[tilespmem:$0x18000] =	vst v63  }
0x7b: {  	_ =	swait.ge [sflag:s17], $0x4000  }
0x7c: {  	[sflag:s17] =	ssyncset.done $0x0  }
0x7d: {  	s1 =	rddreg [dreg:$0x16];
	[sflag:s17] =	ssyncadd.s32 $0xFFFFC000  }
0x7e: {  	[tilespmem:s12], [sflag:$0x6] =	stream.linear.gather [hbm4b:s1+s2], $0x4000, $0x38;
	[tilespmem:$0x18000] =	vst v63  }
0x7f: {  	_ =	swait.ge [sflag:s10], $0x4000  }
0x80: {  	[sflag:s10] =	ssyncset.done $0x0  }
0x81: {  	s1 =	rddreg [dreg:$0x17];
	[sflag:s10] =	ssyncadd.s32 $0xFFFFC000  }
0x82: {  	[hbm4b:s1+s2] =	stream.linear.scatter [tilespmem:s2], [sflag:$0x7], $0x4000, $0x38;
	[tilespmem:$0x18000] =	vst v63  }
0x83: {  	_ =	swait.ge [sflag:s9], $0x4000  }
0x84: {  	[sflag:s9] =	ssyncset.done $0x0  }
0x85: {  	s1 =	rddreg [dreg:$0x18];
	[sflag:s9] =	ssyncadd.s32 $0xFFFFC000  }
0x86: {  	[tilespmem:s2], [sflag:$0x1] =	stream.linear.gather [hbm4b:s1+s2], $0x4000, $0x38;
	[tilespmem:$0x18000] =	vst v63  }
0x87: {  	_ =	swait.ge [sflag:s7], $0x4000  }
0x88: {  	[sflag:s7] =	ssyncset.done $0x0  }
0x89: {  	s1 =	rddreg [dreg:$0x19];
	[sflag:s7] =	ssyncadd.s32 $0xFFFFC000  }
0x8a: {  	[hbm4b:s1+s2] =	stream.linear.scatter [tilespmem:s4], [sflag:$0x8], $0x4000, $0x38;
	[tilespmem:$0x18000] =	vst v63  }
0x8b: {  	_ =	swait.ge [sflag:s6], $0x4000  }
0x8c: {  	[sflag:s6] =	ssyncset.done $0x0  }
0x8d: {  	s1 =	rddreg [dreg:$0x1a];
	[sflag:s6] =	ssyncadd.s32 $0xFFFFC000  }
0x8e: {  	[tilespmem:s4], [sflag:$0x2] =	stream.linear.gather [hbm4b:s1+s2], $0x4000, $0x38;
	[tilespmem:$0x18000] =	vst v63  }
0x8f: {  	_ =	swait.ge [sflag:s31], $0x4000  }
0x90: {  	[sflag:s31] =	ssyncset.done $0x0  }
0x91: {  	s1 =	rddreg [dreg:$0x1b];
	[sflag:s31] =	ssyncadd.s32 $0xFFFFC000  }
0x92: {  	[hbm4b:s1+s2] =	stream.linear.scatter [tilespmem:s22], [sflag:$0x9], $0x4000, $0x38;
	[tilespmem:$0x18000] =	vst v63  }
0x93: {  	_ =	swait.ge [sflag:s28], $0x4000  }
0x94: {  	[sflag:s28] =	ssyncset.done $0x0  }
0x95: {  	s1 =	rddreg [dreg:$0x1c];
	[sflag:s28] =	ssyncadd.s32 $0xFFFFC000  }
0x96: {  	[tilespmem:s22], [sflag:$0x3] =	stream.linear.gather [hbm4b:s1+s2], $0x4000, $0x38;
	[tilespmem:$0x18000] =	vst v63  }
0x97: {  	_ =	swait.ge [sflag:s30], $0x4000  }
0x98: {  	[sflag:s30] =	ssyncset.done $0x0  }
0x99: {  	s1 =	rddreg [dreg:$0x1d];
	[sflag:s30] =	ssyncadd.s32 $0xFFFFC000  }
0x9a: {  	[hbm4b:s1+s2] =	stream.linear.scatter [tilespmem:s16], [sflag:$0xA], $0x4000, $0x38;
	[tilespmem:$0x18000] =	vst v63  }
0x9b: {  	_ =	swait.ge [sflag:s26], $0x4000  }
0x9c: {  	[sflag:s26] =	ssyncset.done $0x0  }
0x9d: {  	s1 =	rddreg [dreg:$0x1e];
	[sflag:s26] =	ssyncadd.s32 $0xFFFFC000  }
0x9e: {  	[tilespmem:s16], [sflag:$0x4] =	stream.linear.gather [hbm4b:s1+s2], $0x4000, $0x38;
	[tilespmem:$0x18000] =	vst v63  }
0x9f: {  	_ =	swait.ge [sflag:s24], $0x4000  }
0xa0: {  	[sflag:s24] =	ssyncset.done $0x0  }
0xa1: {  	s1 =	rddreg [dreg:$0x1f];
	[sflag:s24] =	ssyncadd.s32 $0xFFFFC000  }
0xa2: {  	[hbm4b:s1+s2] =	stream.linear.scatter [tilespmem:s14], [sflag:$0xB], $0x4000, $0x38;
	[tilespmem:$0x18000] =	vst v63  }
0xa3: {  	_ =	swait.ge [sflag:s21], $0x4000  }
0xa4: {  	s1 =	sld [smem:$0x7E4]  }
0xa5: {  	[sflag:s21] =	ssyncset.done $0x0  }
0xa6: {  	[sflag:s21] =	ssyncadd.s32 $0xFFFFC000  }
0xa7: {  	[tilespmem:s14], [sflag:$0x5] =	stream.linear.gather [hbm4b:s1+s2], $0x4000, $0x38;
	[tilespmem:$0x18000] =	vst v63  }
0xa8: {  	_ =	swait.ge [sflag:s19], $0x4000  }
0xa9: {  	s1 =	sld [smem:$0x7E5]  }
0xaa: {  	[sflag:s19] =	ssyncset.done $0x0  }
0xab: {  	[sflag:s19] =	ssyncadd.s32 $0xFFFFC000  }
0xac: {  	[hbm4b:s1+s2] =	stream.linear.scatter [tilespmem:s12], [sflag:$0xC], $0x4000, $0x38;
	[tilespmem:$0x18000] =	vst v63  }
0xad: {  	_ =	swait.ge [sflag:s17], $0x4000  }
0xae: {  	s1 =	sld [smem:$0x7E6]  }
0xaf: {  	[sflag:s17] =	ssyncset.done $0x0  }
0xb0: {  	[sflag:s17] =	ssyncadd.s32 $0xFFFFC000  }
0xb1: {  	[tilespmem:s12], [sflag:$0x6] =	stream.linear.gather [hbm4b:s1+s2], $0x4000, $0x38;
	[tilespmem:$0x18000] =	vst v63  }
0xb2: {  	_ =	swait.ge [sflag:s10], $0x4000  }
0xb3: {  	s1 =	sld [smem:$0x7E7]  }
0xb4: {  	[sflag:s10] =	ssyncset.done $0x0  }
0xb5: {  	[sflag:s10] =	ssyncadd.s32 $0xFFFFC000  }
0xb6: {  	[hbm4b:s1+s2] =	stream.linear.scatter [tilespmem:s2], [sflag:$0x7], $0x4000, $0x38;
	[tilespmem:$0x18000] =	vst v63  }
0xb7: {  	_ =	swait.ge [sflag:s9], $0x4000  }
0xb8: {  	s1 =	sld [smem:$0x7E8]  }
0xb9: {  	[sflag:s9] =	ssyncset.done $0x0  }
0xba: {  	[sflag:s9] =	ssyncadd.s32 $0xFFFFC000  }
0xbb: {  	[tilespmem:s2], [sflag:$0x1] =	stream.linear.gather [hbm4b:s1+s2], $0x4000, $0x38;
	[tilespmem:$0x18000] =	vst v63  }
0xbc: {  	_ =	swait.ge [sflag:s7], $0x4000  }
0xbd: {  	s1 =	sld [smem:$0x7E9]  }
0xbe: {  	[sflag:s7] =	ssyncset.done $0x0  }
0xbf: {  	[sflag:s7] =	ssyncadd.s32 $0xFFFFC000  }
0xc0: {  	[hbm4b:s1+s2] =	stream.linear.scatter [tilespmem:s4], [sflag:$0x8], $0x4000, $0x38;
	[tilespmem:$0x18000] =	vst v63  }
0xc1: {  	_ =	swait.ge [sflag:s6], $0x4000  }
0xc2: {  	s1 =	sld [smem:$0x7EA]  }
0xc3: {  	[sflag:s6] =	ssyncset.done $0x0  }
0xc4: {  	[sflag:s6] =	ssyncadd.s32 $0xFFFFC000  }
0xc5: {  	[tilespmem:s4], [sflag:$0x2] =	stream.linear.gather [hbm4b:s1+s2], $0x4000, $0x38;
	[tilespmem:$0x18000] =	vst v63  }
0xc6: {  	_ =	swait.ge [sflag:s31], $0x4000  }
0xc7: {  	s1 =	sld [smem:$0x7EB]  }
0xc8: {  	[sflag:s31] =	ssyncset.done $0x0  }
0xc9: {  	[sflag:s31] =	ssyncadd.s32 $0xFFFFC000  }
0xca: {  	[hbm4b:s1+s2] =	stream.linear.scatter [tilespmem:s22], [sflag:$0x9], $0x4000, $0x38;
	[tilespmem:$0x18000] =	vst v63  }
0xcb: {  	_ =	swait.ge [sflag:s28], $0x4000  }
0xcc: {  	s1 =	sld [smem:$0x7EC]  }
0xcd: {  	[sflag:s28] =	ssyncset.done $0x0  }
0xce: {  	[sflag:s28] =	ssyncadd.s32 $0xFFFFC000  }
0xcf: {  	[tilespmem:s22], [sflag:$0x3] =	stream.linear.gather [hbm4b:s1+s2], $0x4000, $0x38;
	[tilespmem:$0x18000] =	vst v63  }
0xd0: {  	_ =	swait.ge [sflag:s30], $0x4000  }
0xd1: {  	s1 =	sld [smem:$0x7ED]  }
0xd2: {  	[sflag:s30] =	ssyncset.done $0x0  }
0xd3: {  	[sflag:s30] =	ssyncadd.s32 $0xFFFFC000  }
0xd4: {  	[hbm4b:s1+s2] =	stream.linear.scatter [tilespmem:s16], [sflag:$0xA], $0x4000, $0x38;
	[tilespmem:$0x18000] =	vst v63  }
0xd5: {  	_ =	swait.ge [sflag:s26], $0x4000  }
0xd6: {  	s1 =	sld [smem:$0x7EE]  }
0xd7: {  	[sflag:s26] =	ssyncset.done $0x0  }
0xd8: {  	[sflag:s26] =	ssyncadd.s32 $0xFFFFC000  }
0xd9: {  	[tilespmem:s16], [sflag:$0x4] =	stream.linear.gather [hbm4b:s1+s2], $0x4000, $0x38;
	[tilespmem:$0x18000] =	vst v63  }
0xda: {  	_ =	swait.ge [sflag:s24], $0x4000  }
0xdb: {  	s1 =	sld [smem:$0x7EF]  }
0xdc: {  	[sflag:s24] =	ssyncset.done $0x0  }
0xdd: {  	[sflag:s24] =	ssyncadd.s32 $0xFFFFC000  }
0xde: {  	[hbm4b:s1+s2] =	stream.linear.scatter [tilespmem:s14], [sflag:$0xB], $0x4000, $0x38;
	[tilespmem:$0x18000] =	vst v63  }
0xdf: {  	_ =	swait.ge [sflag:s21], $0x4000  }
0xe0: {  	s1 =	sld [smem:$0x7F0]  }
0xe1: {  	[sflag:s21] =	ssyncset.done $0x0  }
0xe2: {  	[sflag:s21] =	ssyncadd.s32 $0xFFFFC000  }
0xe3: {  	[tilespmem:s14], [sflag:$0x5] =	stream.linear.gather [hbm4b:s1+s2], $0x4000, $0x38;
	[tilespmem:$0x18000] =	vst v63  }
0xe4: {  	_ =	swait.ge [sflag:s19], $0x4000  }
0xe5: {  	s1 =	sld [smem:$0x7F1]  }
0xe6: {  	[sflag:s19] =	ssyncset.done $0x0  }
0xe7: {  	[sflag:s19] =	ssyncadd.s32 $0xFFFFC000  }
0xe8: {  	[hbm4b:s1+s2] =	stream.linear.scatter [tilespmem:s12], [sflag:$0xC], $0x4000, $0x38;
	[tilespmem:$0x18000] =	vst v63  }
0xe9: {  	_ =	swait.ge [sflag:s17], $0x4000  }
0xea: {  	s1 =	sld [smem:$0x7F2]  }
0xeb: {  	[sflag:s17] =	ssyncset.done $0x0  }
0xec: {  	[sflag:s17] =	ssyncadd.s32 $0xFFFFC000  }
0xed: {  	[tilespmem:s12], [sflag:$0x6] =	stream.linear.gather [hbm4b:s1+s2], $0x4000, $0x38;
	[tilespmem:$0x18000] =	vst v63  }
0xee: {  	_ =	swait.ge [sflag:s10], $0x4000  }
0xef: {  	s1 =	sld [smem:$0x7F3]  }
0xf0: {  	[sflag:s10] =	ssyncset.done $0x0  }
0xf1: {  	[sflag:s10] =	ssyncadd.s32 $0xFFFFC000  }
0xf2: {  	[hbm4b:s1+s2] =	stream.linear.scatter [tilespmem:s2], [sflag:$0x7], $0x4000, $0x38;
	[tilespmem:$0x18000] =	vst v63  }
0xf3: {  	_ =	swait.ge [sflag:s9], $0x4000  }
0xf4: {  	s1 =	sld [smem:$0x7F4]  }
0xf5: {  	[sflag:s9] =	ssyncset.done $0x0  }
0xf6: {  	[sflag:s9] =	ssyncadd.s32 $0xFFFFC000  }
0xf7: {  	[tilespmem:s2], [sflag:$0x1] =	stream.linear.gather [hbm4b:s1+s2], $0x4000, $0x38;
	[tilespmem:$0x18000] =	vst v63  }
0xf8: {  	_ =	swait.ge [sflag:s7], $0x4000  }
0xf9: {  	s1 =	sld [smem:$0x7F5]  }
0xfa: {  	[sflag:s7] =	ssyncset.done $0x0  }
0xfb: {  	[sflag:s7] =	ssyncadd.s32 $0xFFFFC000  }
0xfc: {  	[hbm4b:s1+s2] =	stream.linear.scatter [tilespmem:s4], [sflag:$0x8], $0x4000, $0x38;
	[tilespmem:$0x18000] =	vst v63  }
0xfd: {  	_ =	swait.ge [sflag:s6], $0x4000  }
0xfe: {  	s1 =	sld [smem:$0x7F6]  }
0xff: {  	[sflag:s6] =	ssyncset.done $0x0  }
0x100: {  	[sflag:s6] =	ssyncadd.s32 $0xFFFFC000  }
0x101: {  	[tilespmem:s4], [sflag:$0x2] =	stream.linear.gather [hbm4b:s1+s2], $0x4000, $0x38;
	[tilespmem:$0x18000] =	vst v63  }
0x102: {  	_ =	swait.ge [sflag:s31], $0x4000  }
0x103: {  	s1 =	sld [smem:$0x7F7]  }
0x104: {  	[sflag:s31] =	ssyncset.done $0x0  }
0x105: {  	[sflag:s31] =	ssyncadd.s32 $0xFFFFC000  }
0x106: {  	[hbm4b:s1+s2] =	stream.linear.scatter [tilespmem:s22], [sflag:$0x9], $0x4000, $0x38;
	[tilespmem:$0x18000] =	vst v63  }
0x107: {  	_ =	swait.ge [sflag:s28], $0x4000  }
0x108: {  	s1 =	sld [smem:$0x7F8]  }
0x109: {  	[sflag:s28] =	ssyncset.done $0x0  }
0x10a: {  	[sflag:s28] =	ssyncadd.s32 $0xFFFFC000  }
0x10b: {  	[tilespmem:s22], [sflag:$0x3] =	stream.linear.gather [hbm4b:s1+s2], $0x4000, $0x38;
	[tilespmem:$0x18000] =	vst v63  }
0x10c: {  	_ =	swait.ge [sflag:s30], $0x4000  }
0x10d: {  	s1 =	sld [smem:$0x7F9]  }
0x10e: {  	[sflag:s30] =	ssyncset.done $0x0  }
0x10f: {  	[sflag:s30] =	ssyncadd.s32 $0xFFFFC000  }
0x110: {  	[hbm4b:s1+s2] =	stream.linear.scatter [tilespmem:s16], [sflag:$0xA], $0x4000, $0x38;
	[tilespmem:$0x18000] =	vst v63  }
0x111: {  	_ =	swait.ge [sflag:s26], $0x4000  }
0x112: {  	s1 =	sld [smem:$0x7FA]  }
0x113: {  	[sflag:s26] =	ssyncset.done $0x0  }
0x114: {  	[sflag:s26] =	ssyncadd.s32 $0xFFFFC000  }
0x115: {  	[tilespmem:s16], [sflag:$0x4] =	stream.linear.gather [hbm4b:s1+s2], $0x4000, $0x38;
	[tilespmem:$0x18000] =	vst v63  }
0x116: {  	_ =	swait.ge [sflag:s24], $0x4000  }
0x117: {  	s1 =	sld [smem:$0x7FB]  }
0x118: {  	[sflag:s24] =	ssyncset.done $0x0  }
0x119: {  	[sflag:s24] =	ssyncadd.s32 $0xFFFFC000  }
0x11a: {  	[hbm4b:s1+s2] =	stream.linear.scatter [tilespmem:s14], [sflag:$0xB], $0x4000, $0x38;
	[tilespmem:$0x18000] =	vst v63  }
0x11b: {  	_ =	swait.ge [sflag:s21], $0x4000  }
0x11c: {  	s1 =	sld [smem:$0x7FC]  }
0x11d: {  	[sflag:s21] =	ssyncset.done $0x0  }
0x11e: {  	[sflag:s21] =	ssyncadd.s32 $0xFFFFC000  }
0x11f: {  	[tilespmem:s14], [sflag:$0x5] =	stream.linear.gather [hbm4b:s1+s2], $0x4000, $0x38;
	[tilespmem:$0x18000] =	vst v63  }
0x120: {  	_ =	swait.ge [sflag:s19], $0x4000  }
0x121: {  	s1 =	sld [smem:$0x7FD]  }
0x122: {  	[sflag:s19] =	ssyncset.done $0x0  }
0x123: {  	[sflag:s19] =	ssyncadd.s32 $0xFFFFC000  }
0x124: {  	[hbm4b:s1+s2] =	stream.linear.scatter [tilespmem:s12], [sflag:$0xC], $0x4000, $0x38;
	[tilespmem:$0x18000] =	vst v63  }
0x125: {  	_ =	swait.ge [sflag:s17], $0x4000  }
0x126: {  	[sflag:s17] =	ssyncset.done $0x0  }
0x127: {  	[sflag:s17] =	ssyncadd.s32 $0xFFFFC000  }
0x128: {  	[tilespmem:s12], [sflag:$0x6] =	stream.linear.gather [hbm4b:s29+s2], $0x4000, $0x38;
	[tilespmem:$0x18000] =	vst v63  }
0x129: {  	_ =	swait.ge [sflag:s10], $0x4000  }
0x12a: {  	[sflag:s10] =	ssyncset.done $0x0  }
0x12b: {  	[sflag:s10] =	ssyncadd.s32 $0xFFFFC000  }
0x12c: {  	[hbm4b:s25+s2] =	stream.linear.scatter [tilespmem:s2], [sflag:$0x7], $0x4000, $0x38;
	[tilespmem:$0x18000] =	vst v63  }
0x12d: {  	_ =	swait.ge [sflag:s9], $0x4000  }
0x12e: {  	[sflag:s9] =	ssyncset.done $0x0  }
0x12f: {  	[sflag:s9] =	ssyncadd.s32 $0xFFFFC000  }
0x130: {  	[tilespmem:s2], [sflag:$0x1] =	stream.linear.gather [hbm4b:s23+s2], $0x4000, $0x38;
	[tilespmem:$0x18000] =	vst v63  }
0x131: {  	_ =	swait.ge [sflag:s7], $0x4000  }
0x132: {  	[sflag:s7] =	ssyncset.done $0x0  }
0x133: {  	[sflag:s7] =	ssyncadd.s32 $0xFFFFC000  }
0x134: {  	[hbm4b:s20+s2] =	stream.linear.scatter [tilespmem:s4], [sflag:$0x8], $0x4000, $0x38;
	[tilespmem:$0x18000] =	vst v63  }
0x135: {  	_ =	swait.ge [sflag:s6], $0x4000  }
0x136: {  	[sflag:s6] =	ssyncset.done $0x0  }
0x137: {  	[sflag:s6] =	ssyncadd.s32 $0xFFFFC000  }
0x138: {  	[tilespmem:s4], [sflag:$0x2] =	stream.linear.gather [hbm4b:s18+s2], $0x4000, $0x38;
	[tilespmem:$0x18000] =	vst v63  }
0x139: {  	_ =	swait.ge [sflag:s31], $0x4000  }
0x13a: {  	[sflag:s31] =	ssyncset.done $0x0  }
0x13b: {  	[sflag:s31] =	ssyncadd.s32 $0xFFFFC000  }
0x13c: {  	[hbm4b:s15+s2] =	stream.linear.scatter [tilespmem:s22], [sflag:$0x9], $0x4000, $0x38;
	[tilespmem:$0x18000] =	vst v63  }
0x13d: {  	_ =	swait.ge [sflag:s28], $0x4000  }
0x13e: {  	[sflag:s28] =	ssyncset.done $0x0  }
0x13f: {  	[sflag:s28] =	ssyncadd.s32 $0xFFFFC000  }
0x140: {  	_ =	swait.ge [sflag:s30], $0x4000  }
0x141: {  	[sflag:s30] =	ssyncset.done $0x0  }
0x142: {  	[sflag:s30] =	ssyncadd.s32 $0xFFFFC000  }
0x143: {  	[hbm4b:s13+s2] =	stream.linear.scatter [tilespmem:s16], [sflag:$0xA], $0x4000, $0x38;
	[tilespmem:$0x18000] =	vst v63  }
0x144: {  	_ =	swait.ge [sflag:s26], $0x4000  }
0x145: {  	[sflag:s26] =	ssyncset.done $0x0  }
0x146: {  	[sflag:s26] =	ssyncadd.s32 $0xFFFFC000  }
0x147: {  	_ =	swait.ge [sflag:s24], $0x4000  }
0x148: {  	[sflag:s24] =	ssyncset.done $0x0  }
0x149: {  	[sflag:s24] =	ssyncadd.s32 $0xFFFFC000  }
0x14a: {  	[hbm4b:s11+s2] =	stream.linear.scatter [tilespmem:s14], [sflag:$0xB], $0x4000, $0x38;
	[tilespmem:$0x18000] =	vst v63  }
0x14b: {  	_ =	swait.ge [sflag:s21], $0x4000  }
0x14c: {  	[sflag:s21] =	ssyncset.done $0x0  }
0x14d: {  	[sflag:s21] =	ssyncadd.s32 $0xFFFFC000  }
0x14e: {  	_ =	swait.ge [sflag:s19], $0x4000  }
0x14f: {  	[sflag:s19] =	ssyncset.done $0x0  }
0x150: {  	[sflag:s19] =	ssyncadd.s32 $0xFFFFC000  }
0x151: {  	[hbm4b:s8+s2] =	stream.linear.scatter [tilespmem:s12], [sflag:$0xC], $0x4000, $0x38;
	[tilespmem:$0x18000] =	vst v63  }
0x152: {  	_ =	swait.ge [sflag:s17], $0x4000  }
0x153: {  	[sflag:s17] =	ssyncset.done $0x0  }
0x154: {  	[sflag:s17] =	ssyncadd.s32 $0xFFFFC000  }
0x155: {  	_ =	swait.ge [sflag:s10], $0x4000  }
0x156: {  	[sflag:s10] =	ssyncset.done $0x0  }
0x157: {  	[sflag:s10] =	ssyncadd.s32 $0xFFFFC000  }
0x158: {  	[hbm4b:s5+s2] =	stream.linear.scatter [tilespmem:s2], [sflag:$0x7], $0x4000, $0x38;
	[tilespmem:$0x18000] =	vst v63  }
0x159: {  	_ =	swait.ge [sflag:s9], $0x4000  }
0x15a: {  	[sflag:s9] =	ssyncset.done $0x0  }
0x15b: {  	[sflag:s9] =	ssyncadd.s32 $0xFFFFC000  }
0x15c: {  	_ =	swait.ge [sflag:s7], $0x4000  }
0x15d: {  	s1 =	sld [smem:$0x7E3];
	_ =	sdelay $0x2  }
0x15e: {  	p1 =	sne.s32 s1, $0x1  }
.Ltmp1:
0x15f: {  	[sflag:s7] =	ssyncset.done $0x0;
	(pc) =	sbr.rel @!p1 .LBB2_3-.Ltmp1, $4  }
0x160: {  	[sflag:s7] =	ssyncadd.s32 $0xFFFFC000  }
0x161: {  	[hbm4b:s3+s2] =	stream.linear.scatter [tilespmem:s4], [sflag:$0x8], $0x4000, $0x38;
	[tilespmem:$0x18000] =	vst v63  }
0x162: {  	p0 =	por $0x1, $0x1;
	_ =	swait.ge [sflag:s6], $0x4000  }
0x163: {  	s0 =	sadd.s32 $0xFFFFFFFF, s1;
	s1 =	rddreg [dreg:$0x5];
	[sflag:s6] =	ssyncset.done $0x0  }
.LBB2_2:
0x164: {  	[sflag:s6] =	ssyncadd.s32 $0xFFFFC000;
	s17 =	simm.s32 $0x4000  }
0x165: {  	s12 =	smov.u32 s29;
	s29 =	smov.u32 s25;
	s25 =	smov.u32 s23  }
0x166: {  	s23 =	smov.u32 s20;
	s20 =	smov.u32 s18;
	s18 =	smov.u32 s15  }
0x167: {  	s15 =	smov.u32 s13;
	s13 =	smov.u32 s11;
	s11 =	smov.u32 s8  }
0x168: {  	[tilespmem:s2], [sflag:$0x1] =	stream.linear.gather [hbm4b:s1+s2], $0x4000, $0x38;
	[tilespmem:$0x18000] =	vst v63  }
0x169: {  	s8 =	smov.u32 s5;
	s5 =	smov.u32 s3;
	s3 =	rddreg [dreg:$0x6]  }
0x16a: {  	[tilespmem:s17], [sflag:$0x2] =	stream.linear.gather [hbm4b:s3+s2], $0x4000, $0x38;
	[tilespmem:$0x18000] =	vst v63  }
0x16b: {  	s4 =	simm.s32 $0x8000;
	s1 =	rddreg [dreg:$0x7]  }
0x16c: {  	[tilespmem:s4], [sflag:$0x3] =	stream.linear.gather [hbm4b:s1+s2], $0x4000, $0x38;
	[tilespmem:$0x18000] =	vst v63  }
0x16d: {  	s22 =	simm.s32 $0xC000;
	s3 =	rddreg [dreg:$0x8]  }
0x16e: {  	[tilespmem:s22], [sflag:$0x4] =	stream.linear.gather [hbm4b:s3+s2], $0x4000, $0x38;
	[tilespmem:$0x18000] =	vst v63  }
0x16f: {  	s16 =	simm.s32 $0x10000;
	s1 =	rddreg [dreg:$0x9]  }
0x170: {  	[tilespmem:s16], [sflag:$0x5] =	stream.linear.gather [hbm4b:s1+s2], $0x4000, $0x38;
	[tilespmem:$0x18000] =	vst v63  }
0x171: {  	s14 =	simm.s32 $0x14000;
	s3 =	rddreg [dreg:$0xa]  }
0x172: {  	[tilespmem:s14], [sflag:$0x6] =	stream.linear.gather [hbm4b:s3+s2], $0x4000, $0x38;
	[tilespmem:$0x18000] =	vst v63  }
0x173: {  	_ =	swait.ge [sflag:s10], $0x4000  }
0x174: {  	[sflag:s10] =	ssyncset.done $0x0  }
0x175: {  	s1 =	rddreg [dreg:$0xb];
	[sflag:s10] =	ssyncadd.s32 $0xFFFFC000  }
0x176: {  	[hbm4b:s1+s2] =	stream.linear.scatter [tilespmem:s2], [sflag:$0x7], $0x4000, $0x38;
	[tilespmem:$0x18000] =	vst v63  }
0x177: {  	_ =	swait.ge [sflag:s9], $0x4000  }
0x178: {  	[sflag:s9] =	ssyncset.done $0x0  }
0x179: {  	s1 =	rddreg [dreg:$0xc];
	[sflag:s9] =	ssyncadd.s32 $0xFFFFC000  }
0x17a: {  	[tilespmem:s2], [sflag:$0x1] =	stream.linear.gather [hbm4b:s1+s2], $0x4000, $0x38;
	[tilespmem:$0x18000] =	vst v63  }
0x17b: {  	_ =	swait.ge [sflag:s7], $0x4000  }
0x17c: {  	[sflag:s7] =	ssyncset.done $0x0  }
0x17d: {  	s4 =	simm.s32 $0x4000;
	s1 =	rddreg [dreg:$0xd];
	[sflag:s7] =	ssyncadd.s32 $0xFFFFC000  }
0x17e: {  	[hbm4b:s1+s2] =	stream.linear.scatter [tilespmem:s4], [sflag:$0x8], $0x4000, $0x38;
	[tilespmem:$0x18000] =	vst v63  }
0x17f: {  	_ =	swait.ge [sflag:s6], $0x4000  }
0x180: {  	[sflag:s6] =	ssyncset.done $0x0  }
0x181: {  	s1 =	rddreg [dreg:$0xe];
	[sflag:s6] =	ssyncadd.s32 $0xFFFFC000  }
0x182: {  	[tilespmem:s4], [sflag:$0x2] =	stream.linear.gather [hbm4b:s1+s2], $0x4000, $0x38;
	[tilespmem:$0x18000] =	vst v63  }
0x183: {  	_ =	swait.ge [sflag:s31], $0x4000  }
0x184: {  	[sflag:s31] =	ssyncset.done $0x0  }
0x185: {  	s22 =	simm.s32 $0x8000;
	s1 =	rddreg [dreg:$0xf];
	[sflag:s31] =	ssyncadd.s32 $0xFFFFC000  }
0x186: {  	[hbm4b:s1+s2] =	stream.linear.scatter [tilespmem:s22], [sflag:$0x9], $0x4000, $0x38;
	[tilespmem:$0x18000] =	vst v63  }
0x187: {  	_ =	swait.ge [sflag:s28], $0x4000  }
0x188: {  	[sflag:s28] =	ssyncset.done $0x0  }
0x189: {  	s1 =	rddreg [dreg:$0x10];
	[sflag:s28] =	ssyncadd.s32 $0xFFFFC000  }
0x18a: {  	[tilespmem:s22], [sflag:$0x3] =	stream.linear.gather [hbm4b:s1+s2], $0x4000, $0x38;
	[tilespmem:$0x18000] =	vst v63  }
0x18b: {  	_ =	swait.ge [sflag:s30], $0x4000  }
0x18c: {  	[sflag:s30] =	ssyncset.done $0x0  }
0x18d: {  	s16 =	simm.s32 $0xC000;
	s1 =	rddreg [dreg:$0x11];
	[sflag:s30] =	ssyncadd.s32 $0xFFFFC000  }
0x18e: {  	[hbm4b:s1+s2] =	stream.linear.scatter [tilespmem:s16], [sflag:$0xA], $0x4000, $0x38;
	[tilespmem:$0x18000] =	vst v63  }
0x18f: {  	_ =	swait.ge [sflag:s26], $0x4000  }
0x190: {  	[sflag:s26] =	ssyncset.done $0x0  }
0x191: {  	s1 =	rddreg [dreg:$0x12];
	[sflag:s26] =	ssyncadd.s32 $0xFFFFC000  }
0x192: {  	[tilespmem:s16], [sflag:$0x4] =	stream.linear.gather [hbm4b:s1+s2], $0x4000, $0x38;
	[tilespmem:$0x18000] =	vst v63  }
0x193: {  	s17 =	simm.s32 $0xC;
	_ =	swait.ge [sflag:s24], $0x4000  }
0x194: {  	s14 =	simm.s32 $0x10000;
	s3 =	smov.u32 s5;
	[sflag:s24] =	ssyncset.done $0x0  }
0x195: {  	s5 =	smov.u32 s8;
	s1 =	rddreg [dreg:$0x13];
	[sflag:s24] =	ssyncadd.s32 $0xFFFFC000  }
0x196: {  	[hbm4b:s1+s2] =	stream.linear.scatter [tilespmem:s14], [sflag:$0xB], $0x4000, $0x38;
	[tilespmem:$0x18000] =	vst v63  }
0x197: {  	s8 =	smov.u32 s11;
	s11 =	smov.u32 s13;
	_ =	swait.ge [sflag:s21], $0x4000  }
0x198: {  	s13 =	smov.u32 s15;
	s15 =	smov.u32 s18;
	[sflag:s21] =	ssyncset.done $0x0  }
0x199: {  	s18 =	smov.u32 s20;
	s1 =	rddreg [dreg:$0x14];
	[sflag:s21] =	ssyncadd.s32 $0xFFFFC000  }
0x19a: {  	[tilespmem:s14], [sflag:$0x5] =	stream.linear.gather [hbm4b:s1+s2], $0x4000, $0x38;
	[tilespmem:$0x18000] =	vst v63  }
0x19b: {  	s20 =	smov.u32 s23;
	s23 =	smov.u32 s25;
	_ =	swait.ge [sflag:s19], $0x4000  }
0x19c: {  	s25 =	smov.u32 s29;
	s29 =	smov.u32 s12;
	[sflag:s19] =	ssyncset.done $0x0  }
0x19d: {  	s12 =	simm.s32 $0x14000;
	s1 =	rddreg [dreg:$0x15];
	[sflag:s19] =	ssyncadd.s32 $0xFFFFC000  }
0x19e: {  	[hbm4b:s1+s2] =	stream.linear.scatter [tilespmem:s12], [sflag:$0xC], $0x4000, $0x38;
	[tilespmem:$0x18000] =	vst v63  }
0x19f: {  	_ =	swait.ge [sflag:s17], $0x4000  }
0x1a0: {  	[sflag:s17] =	ssyncset.done $0x0  }
0x1a1: {  	s1 =	rddreg [dreg:$0x16];
	[sflag:s17] =	ssyncadd.s32 $0xFFFFC000  }
0x1a2: {  	[tilespmem:s12], [sflag:$0x6] =	stream.linear.gather [hbm4b:s1+s2], $0x4000, $0x38;
	[tilespmem:$0x18000] =	vst v63  }
0x1a3: {  	_ =	swait.ge [sflag:s10], $0x4000  }
0x1a4: {  	[sflag:s10] =	ssyncset.done $0x0  }
0x1a5: {  	s1 =	rddreg [dreg:$0x17];
	[sflag:s10] =	ssyncadd.s32 $0xFFFFC000  }
0x1a6: {  	[hbm4b:s1+s2] =	stream.linear.scatter [tilespmem:s2], [sflag:$0x7], $0x4000, $0x38;
	[tilespmem:$0x18000] =	vst v63  }
0x1a7: {  	_ =	swait.ge [sflag:s9], $0x4000  }
0x1a8: {  	[sflag:s9] =	ssyncset.done $0x0  }
0x1a9: {  	s1 =	rddreg [dreg:$0x18];
	[sflag:s9] =	ssyncadd.s32 $0xFFFFC000  }
0x1aa: {  	[tilespmem:s2], [sflag:$0x1] =	stream.linear.gather [hbm4b:s1+s2], $0x4000, $0x38;
	[tilespmem:$0x18000] =	vst v63  }
0x1ab: {  	_ =	swait.ge [sflag:s7], $0x4000  }
0x1ac: {  	[sflag:s7] =	ssyncset.done $0x0  }
0x1ad: {  	s1 =	rddreg [dreg:$0x19];
	[sflag:s7] =	ssyncadd.s32 $0xFFFFC000  }
0x1ae: {  	[hbm4b:s1+s2] =	stream.linear.scatter [tilespmem:s4], [sflag:$0x8], $0x4000, $0x38;
	[tilespmem:$0x18000] =	vst v63  }
0x1af: {  	_ =	swait.ge [sflag:s6], $0x4000  }
0x1b0: {  	[sflag:s6] =	ssyncset.done $0x0  }
0x1b1: {  	s1 =	rddreg [dreg:$0x1a];
	[sflag:s6] =	ssyncadd.s32 $0xFFFFC000  }
0x1b2: {  	[tilespmem:s4], [sflag:$0x2] =	stream.linear.gather [hbm4b:s1+s2], $0x4000, $0x38;
	[tilespmem:$0x18000] =	vst v63  }
0x1b3: {  	_ =	swait.ge [sflag:s31], $0x4000  }
0x1b4: {  	[sflag:s31] =	ssyncset.done $0x0  }
0x1b5: {  	s1 =	rddreg [dreg:$0x1b];
	[sflag:s31] =	ssyncadd.s32 $0xFFFFC000  }
0x1b6: {  	[hbm4b:s1+s2] =	stream.linear.scatter [tilespmem:s22], [sflag:$0x9], $0x4000, $0x38;
	[tilespmem:$0x18000] =	vst v63  }
0x1b7: {  	_ =	swait.ge [sflag:s28], $0x4000  }
0x1b8: {  	[sflag:s28] =	ssyncset.done $0x0  }
0x1b9: {  	s1 =	rddreg [dreg:$0x1c];
	[sflag:s28] =	ssyncadd.s32 $0xFFFFC000  }
0x1ba: {  	[tilespmem:s22], [sflag:$0x3] =	stream.linear.gather [hbm4b:s1+s2], $0x4000, $0x38;
	[tilespmem:$0x18000] =	vst v63  }
0x1bb: {  	_ =	swait.ge [sflag:s30], $0x4000  }
0x1bc: {  	[sflag:s30] =	ssyncset.done $0x0  }
0x1bd: {  	s1 =	rddreg [dreg:$0x1d];
	[sflag:s30] =	ssyncadd.s32 $0xFFFFC000  }
0x1be: {  	[hbm4b:s1+s2] =	stream.linear.scatter [tilespmem:s16], [sflag:$0xA], $0x4000, $0x38;
	[tilespmem:$0x18000] =	vst v63  }
0x1bf: {  	_ =	swait.ge [sflag:s26], $0x4000  }
0x1c0: {  	[sflag:s26] =	ssyncset.done $0x0  }
0x1c1: {  	s1 =	rddreg [dreg:$0x1e];
	[sflag:s26] =	ssyncadd.s32 $0xFFFFC000  }
0x1c2: {  	[tilespmem:s16], [sflag:$0x4] =	stream.linear.gather [hbm4b:s1+s2], $0x4000, $0x38;
	[tilespmem:$0x18000] =	vst v63  }
0x1c3: {  	_ =	swait.ge [sflag:s24], $0x4000  }
0x1c4: {  	[sflag:s24] =	ssyncset.done $0x0  }
0x1c5: {  	s1 =	rddreg [dreg:$0x1f];
	[sflag:s24] =	ssyncadd.s32 $0xFFFFC000  }
0x1c6: {  	[hbm4b:s1+s2] =	stream.linear.scatter [tilespmem:s14], [sflag:$0xB], $0x4000, $0x38;
	[tilespmem:$0x18000] =	vst v63  }
0x1c7: {  	_ =	swait.ge [sflag:s21], $0x4000  }
0x1c8: {  	s1 =	sld [smem:$0x7E4]  }
0x1c9: {  	[sflag:s21] =	ssyncset.done $0x0  }
0x1ca: {  	[sflag:s21] =	ssyncadd.s32 $0xFFFFC000  }
0x1cb: {  	[tilespmem:s14], [sflag:$0x5] =	stream.linear.gather [hbm4b:s1+s2], $0x4000, $0x38;
	[tilespmem:$0x18000] =	vst v63  }
0x1cc: {  	_ =	swait.ge [sflag:s19], $0x4000  }
0x1cd: {  	s1 =	sld [smem:$0x7E5]  }
0x1ce: {  	[sflag:s19] =	ssyncset.done $0x0  }
0x1cf: {  	[sflag:s19] =	ssyncadd.s32 $0xFFFFC000  }
0x1d0: {  	[hbm4b:s1+s2] =	stream.linear.scatter [tilespmem:s12], [sflag:$0xC], $0x4000, $0x38;
	[tilespmem:$0x18000] =	vst v63  }
0x1d1: {  	_ =	swait.ge [sflag:s17], $0x4000  }
0x1d2: {  	s1 =	sld [smem:$0x7E6]  }
0x1d3: {  	[sflag:s17] =	ssyncset.done $0x0  }
0x1d4: {  	[sflag:s17] =	ssyncadd.s32 $0xFFFFC000  }
0x1d5: {  	[tilespmem:s12], [sflag:$0x6] =	stream.linear.gather [hbm4b:s1+s2], $0x4000, $0x38;
	[tilespmem:$0x18000] =	vst v63  }
0x1d6: {  	_ =	swait.ge [sflag:s10], $0x4000  }
0x1d7: {  	s1 =	sld [smem:$0x7E7]  }
0x1d8: {  	[sflag:s10] =	ssyncset.done $0x0  }
0x1d9: {  	[sflag:s10] =	ssyncadd.s32 $0xFFFFC000  }
0x1da: {  	[hbm4b:s1+s2] =	stream.linear.scatter [tilespmem:s2], [sflag:$0x7], $0x4000, $0x38;
	[tilespmem:$0x18000] =	vst v63  }
0x1db: {  	_ =	swait.ge [sflag:s9], $0x4000  }
0x1dc: {  	s1 =	sld [smem:$0x7E8]  }
0x1dd: {  	[sflag:s9] =	ssyncset.done $0x0  }
0x1de: {  	[sflag:s9] =	ssyncadd.s32 $0xFFFFC000  }
0x1df: {  	[tilespmem:s2], [sflag:$0x1] =	stream.linear.gather [hbm4b:s1+s2], $0x4000, $0x38;
	[tilespmem:$0x18000] =	vst v63  }
0x1e0: {  	_ =	swait.ge [sflag:s7], $0x4000  }
0x1e1: {  	s1 =	sld [smem:$0x7E9]  }
0x1e2: {  	[sflag:s7] =	ssyncset.done $0x0  }
0x1e3: {  	[sflag:s7] =	ssyncadd.s32 $0xFFFFC000  }
0x1e4: {  	[hbm4b:s1+s2] =	stream.linear.scatter [tilespmem:s4], [sflag:$0x8], $0x4000, $0x38;
	[tilespmem:$0x18000] =	vst v63  }
0x1e5: {  	_ =	swait.ge [sflag:s6], $0x4000  }
0x1e6: {  	s1 =	sld [smem:$0x7EA]  }
0x1e7: {  	[sflag:s6] =	ssyncset.done $0x0  }
0x1e8: {  	[sflag:s6] =	ssyncadd.s32 $0xFFFFC000  }
0x1e9: {  	[tilespmem:s4], [sflag:$0x2] =	stream.linear.gather [hbm4b:s1+s2], $0x4000, $0x38;
	[tilespmem:$0x18000] =	vst v63  }
0x1ea: {  	_ =	swait.ge [sflag:s31], $0x4000  }
0x1eb: {  	s1 =	sld [smem:$0x7EB]  }
0x1ec: {  	[sflag:s31] =	ssyncset.done $0x0  }
0x1ed: {  	[sflag:s31] =	ssyncadd.s32 $0xFFFFC000  }
0x1ee: {  	[hbm4b:s1+s2] =	stream.linear.scatter [tilespmem:s22], [sflag:$0x9], $0x4000, $0x38;
	[tilespmem:$0x18000] =	vst v63  }
0x1ef: {  	_ =	swait.ge [sflag:s28], $0x4000  }
0x1f0: {  	s1 =	sld [smem:$0x7EC]  }
0x1f1: {  	[sflag:s28] =	ssyncset.done $0x0  }
0x1f2: {  	[sflag:s28] =	ssyncadd.s32 $0xFFFFC000  }
0x1f3: {  	[tilespmem:s22], [sflag:$0x3] =	stream.linear.gather [hbm4b:s1+s2], $0x4000, $0x38;
	[tilespmem:$0x18000] =	vst v63  }
0x1f4: {  	_ =	swait.ge [sflag:s30], $0x4000  }
0x1f5: {  	s1 =	sld [smem:$0x7ED]  }
0x1f6: {  	[sflag:s30] =	ssyncset.done $0x0  }
0x1f7: {  	[sflag:s30] =	ssyncadd.s32 $0xFFFFC000  }
0x1f8: {  	[hbm4b:s1+s2] =	stream.linear.scatter [tilespmem:s16], [sflag:$0xA], $0x4000, $0x38;
	[tilespmem:$0x18000] =	vst v63  }
0x1f9: {  	_ =	swait.ge [sflag:s26], $0x4000  }
0x1fa: {  	s1 =	sld [smem:$0x7EE]  }
0x1fb: {  	[sflag:s26] =	ssyncset.done $0x0  }
0x1fc: {  	[sflag:s26] =	ssyncadd.s32 $0xFFFFC000  }
0x1fd: {  	[tilespmem:s16], [sflag:$0x4] =	stream.linear.gather [hbm4b:s1+s2], $0x4000, $0x38;
	[tilespmem:$0x18000] =	vst v63  }
0x1fe: {  	_ =	swait.ge [sflag:s24], $0x4000  }
0x1ff: {  	s1 =	sld [smem:$0x7EF]  }
0x200: {  	[sflag:s24] =	ssyncset.done $0x0  }
0x201: {  	[sflag:s24] =	ssyncadd.s32 $0xFFFFC000  }
0x202: {  	[hbm4b:s1+s2] =	stream.linear.scatter [tilespmem:s14], [sflag:$0xB], $0x4000, $0x38;
	[tilespmem:$0x18000] =	vst v63  }
0x203: {  	_ =	swait.ge [sflag:s21], $0x4000  }
0x204: {  	s1 =	sld [smem:$0x7F0]  }
0x205: {  	[sflag:s21] =	ssyncset.done $0x0  }
0x206: {  	[sflag:s21] =	ssyncadd.s32 $0xFFFFC000  }
0x207: {  	[tilespmem:s14], [sflag:$0x5] =	stream.linear.gather [hbm4b:s1+s2], $0x4000, $0x38;
	[tilespmem:$0x18000] =	vst v63  }
0x208: {  	_ =	swait.ge [sflag:s19], $0x4000  }
0x209: {  	s1 =	sld [smem:$0x7F1]  }
0x20a: {  	[sflag:s19] =	ssyncset.done $0x0  }
0x20b: {  	[sflag:s19] =	ssyncadd.s32 $0xFFFFC000  }
0x20c: {  	[hbm4b:s1+s2] =	stream.linear.scatter [tilespmem:s12], [sflag:$0xC], $0x4000, $0x38;
	[tilespmem:$0x18000] =	vst v63  }
0x20d: {  	_ =	swait.ge [sflag:s17], $0x4000  }
0x20e: {  	s1 =	sld [smem:$0x7F2]  }
0x20f: {  	[sflag:s17] =	ssyncset.done $0x0  }
0x210: {  	[sflag:s17] =	ssyncadd.s32 $0xFFFFC000  }
0x211: {  	[tilespmem:s12], [sflag:$0x6] =	stream.linear.gather [hbm4b:s1+s2], $0x4000, $0x38;
	[tilespmem:$0x18000] =	vst v63  }
0x212: {  	_ =	swait.ge [sflag:s10], $0x4000  }
0x213: {  	s1 =	sld [smem:$0x7F3]  }
0x214: {  	[sflag:s10] =	ssyncset.done $0x0  }
0x215: {  	[sflag:s10] =	ssyncadd.s32 $0xFFFFC000  }
0x216: {  	[hbm4b:s1+s2] =	stream.linear.scatter [tilespmem:s2], [sflag:$0x7], $0x4000, $0x38;
	[tilespmem:$0x18000] =	vst v63  }
0x217: {  	_ =	swait.ge [sflag:s9], $0x4000  }
0x218: {  	s1 =	sld [smem:$0x7F4]  }
0x219: {  	[sflag:s9] =	ssyncset.done $0x0  }
0x21a: {  	[sflag:s9] =	ssyncadd.s32 $0xFFFFC000  }
0x21b: {  	[tilespmem:s2], [sflag:$0x1] =	stream.linear.gather [hbm4b:s1+s2], $0x4000, $0x38;
	[tilespmem:$0x18000] =	vst v63  }
0x21c: {  	_ =	swait.ge [sflag:s7], $0x4000  }
0x21d: {  	s1 =	sld [smem:$0x7F5]  }
0x21e: {  	[sflag:s7] =	ssyncset.done $0x0  }
0x21f: {  	[sflag:s7] =	ssyncadd.s32 $0xFFFFC000  }
0x220: {  	[hbm4b:s1+s2] =	stream.linear.scatter [tilespmem:s4], [sflag:$0x8], $0x4000, $0x38;
	[tilespmem:$0x18000] =	vst v63  }
0x221: {  	_ =	swait.ge [sflag:s6], $0x4000  }
0x222: {  	s1 =	sld [smem:$0x7F6]  }
0x223: {  	[sflag:s6] =	ssyncset.done $0x0  }
0x224: {  	[sflag:s6] =	ssyncadd.s32 $0xFFFFC000  }
0x225: {  	[tilespmem:s4], [sflag:$0x2] =	stream.linear.gather [hbm4b:s1+s2], $0x4000, $0x38;
	[tilespmem:$0x18000] =	vst v63  }
0x226: {  	_ =	swait.ge [sflag:s31], $0x4000  }
0x227: {  	s1 =	sld [smem:$0x7F7]  }
0x228: {  	[sflag:s31] =	ssyncset.done $0x0  }
0x229: {  	[sflag:s31] =	ssyncadd.s32 $0xFFFFC000  }
0x22a: {  	[hbm4b:s1+s2] =	stream.linear.scatter [tilespmem:s22], [sflag:$0x9], $0x4000, $0x38;
	[tilespmem:$0x18000] =	vst v63  }
0x22b: {  	_ =	swait.ge [sflag:s28], $0x4000  }
0x22c: {  	s1 =	sld [smem:$0x7F8]  }
0x22d: {  	[sflag:s28] =	ssyncset.done $0x0  }
0x22e: {  	[sflag:s28] =	ssyncadd.s32 $0xFFFFC000  }
0x22f: {  	[tilespmem:s22], [sflag:$0x3] =	stream.linear.gather [hbm4b:s1+s2], $0x4000, $0x38;
	[tilespmem:$0x18000] =	vst v63  }
0x230: {  	_ =	swait.ge [sflag:s30], $0x4000  }
0x231: {  	s1 =	sld [smem:$0x7F9]  }
0x232: {  	[sflag:s30] =	ssyncset.done $0x0  }
0x233: {  	[sflag:s30] =	ssyncadd.s32 $0xFFFFC000  }
0x234: {  	[hbm4b:s1+s2] =	stream.linear.scatter [tilespmem:s16], [sflag:$0xA], $0x4000, $0x38;
	[tilespmem:$0x18000] =	vst v63  }
0x235: {  	_ =	swait.ge [sflag:s26], $0x4000  }
0x236: {  	s1 =	sld [smem:$0x7FA]  }
0x237: {  	[sflag:s26] =	ssyncset.done $0x0  }
0x238: {  	[sflag:s26] =	ssyncadd.s32 $0xFFFFC000  }
0x239: {  	[tilespmem:s16], [sflag:$0x4] =	stream.linear.gather [hbm4b:s1+s2], $0x4000, $0x38;
	[tilespmem:$0x18000] =	vst v63  }
0x23a: {  	_ =	swait.ge [sflag:s24], $0x4000  }
0x23b: {  	s1 =	sld [smem:$0x7FB]  }
0x23c: {  	[sflag:s24] =	ssyncset.done $0x0  }
0x23d: {  	[sflag:s24] =	ssyncadd.s32 $0xFFFFC000  }
0x23e: {  	[hbm4b:s1+s2] =	stream.linear.scatter [tilespmem:s14], [sflag:$0xB], $0x4000, $0x38;
	[tilespmem:$0x18000] =	vst v63  }
0x23f: {  	_ =	swait.ge [sflag:s21], $0x4000  }
0x240: {  	s1 =	sld [smem:$0x7FC]  }
0x241: {  	[sflag:s21] =	ssyncset.done $0x0  }
0x242: {  	[sflag:s21] =	ssyncadd.s32 $0xFFFFC000  }
0x243: {  	[tilespmem:s14], [sflag:$0x5] =	stream.linear.gather [hbm4b:s1+s2], $0x4000, $0x38;
	[tilespmem:$0x18000] =	vst v63  }
0x244: {  	_ =	swait.ge [sflag:s19], $0x4000  }
0x245: {  	s1 =	sld [smem:$0x7FD]  }
0x246: {  	[sflag:s19] =	ssyncset.done $0x0  }
0x247: {  	[sflag:s19] =	ssyncadd.s32 $0xFFFFC000  }
0x248: {  	[hbm4b:s1+s2] =	stream.linear.scatter [tilespmem:s12], [sflag:$0xC], $0x4000, $0x38;
	[tilespmem:$0x18000] =	vst v63  }
0x249: {  	_ =	swait.ge [sflag:s17], $0x4000  }
0x24a: {  	[sflag:s17] =	ssyncset.done $0x0  }
0x24b: {  	[sflag:s17] =	ssyncadd.s32 $0xFFFFC000  }
0x24c: {  	[tilespmem:s12], [sflag:$0x6] =	stream.linear.gather [hbm4b:s29+s2], $0x4000, $0x38;
	[tilespmem:$0x18000] =	vst v63  }
0x24d: {  	_ =	swait.ge [sflag:s10], $0x4000  }
0x24e: {  	[sflag:s10] =	ssyncset.done $0x0  }
0x24f: {  	[sflag:s10] =	ssyncadd.s32 $0xFFFFC000  }
0x250: {  	[hbm4b:s25+s2] =	stream.linear.scatter [tilespmem:s2], [sflag:$0x7], $0x4000, $0x38;
	[tilespmem:$0x18000] =	vst v63  }
0x251: {  	_ =	swait.ge [sflag:s9], $0x4000  }
0x252: {  	[sflag:s9] =	ssyncset.done $0x0  }
0x253: {  	[sflag:s9] =	ssyncadd.s32 $0xFFFFC000  }
0x254: {  	[tilespmem:s2], [sflag:$0x1] =	stream.linear.gather [hbm4b:s23+s2], $0x4000, $0x38;
	[tilespmem:$0x18000] =	vst v63  }
0x255: {  	_ =	swait.ge [sflag:s7], $0x4000  }
0x256: {  	[sflag:s7] =	ssyncset.done $0x0  }
0x257: {  	[sflag:s7] =	ssyncadd.s32 $0xFFFFC000  }
0x258: {  	[hbm4b:s20+s2] =	stream.linear.scatter [tilespmem:s4], [sflag:$0x8], $0x4000, $0x38;
	[tilespmem:$0x18000] =	vst v63  }
0x259: {  	_ =	swait.ge [sflag:s6], $0x4000  }
0x25a: {  	[sflag:s6] =	ssyncset.done $0x0  }
0x25b: {  	[sflag:s6] =	ssyncadd.s32 $0xFFFFC000  }
0x25c: {  	[tilespmem:s4], [sflag:$0x2] =	stream.linear.gather [hbm4b:s18+s2], $0x4000, $0x38;
	[tilespmem:$0x18000] =	vst v63  }
0x25d: {  	_ =	swait.ge [sflag:s31], $0x4000  }
0x25e: {  	[sflag:s31] =	ssyncset.done $0x0  }
0x25f: {  	[sflag:s31] =	ssyncadd.s32 $0xFFFFC000  }
0x260: {  	[hbm4b:s15+s2] =	stream.linear.scatter [tilespmem:s22], [sflag:$0x9], $0x4000, $0x38;
	[tilespmem:$0x18000] =	vst v63  }
0x261: {  	_ =	swait.ge [sflag:s28], $0x4000  }
0x262: {  	[sflag:s28] =	ssyncset.done $0x0  }
0x263: {  	[sflag:s28] =	ssyncadd.s32 $0xFFFFC000  }
0x264: {  	_ =	swait.ge [sflag:s30], $0x4000  }
0x265: {  	[sflag:s30] =	ssyncset.done $0x0  }
0x266: {  	[sflag:s30] =	ssyncadd.s32 $0xFFFFC000  }
0x267: {  	[hbm4b:s13+s2] =	stream.linear.scatter [tilespmem:s16], [sflag:$0xA], $0x4000, $0x38;
	[tilespmem:$0x18000] =	vst v63  }
0x268: {  	_ =	swait.ge [sflag:s26], $0x4000  }
0x269: {  	[sflag:s26] =	ssyncset.done $0x0  }
0x26a: {  	[sflag:s26] =	ssyncadd.s32 $0xFFFFC000  }
0x26b: {  	_ =	swait.ge [sflag:s24], $0x4000  }
0x26c: {  	[sflag:s24] =	ssyncset.done $0x0  }
0x26d: {  	[sflag:s24] =	ssyncadd.s32 $0xFFFFC000  }
0x26e: {  	[hbm4b:s11+s2] =	stream.linear.scatter [tilespmem:s14], [sflag:$0xB], $0x4000, $0x38;
	[tilespmem:$0x18000] =	vst v63  }
0x26f: {  	_ =	swait.ge [sflag:s21], $0x4000  }
0x270: {  	[sflag:s21] =	ssyncset.done $0x0  }
0x271: {  	[sflag:s21] =	ssyncadd.s32 $0xFFFFC000  }
0x272: {  	_ =	swait.ge [sflag:s19], $0x4000  }
0x273: {  	[sflag:s19] =	ssyncset.done $0x0  }
0x274: {  	[sflag:s19] =	ssyncadd.s32 $0xFFFFC000  }
0x275: {  	[hbm4b:s8+s2] =	stream.linear.scatter [tilespmem:s12], [sflag:$0xC], $0x4000, $0x38;
	[tilespmem:$0x18000] =	vst v63  }
0x276: {  	_ =	swait.ge [sflag:s17], $0x4000  }
0x277: {  	[sflag:s17] =	ssyncset.done $0x0  }
0x278: {  	[sflag:s17] =	ssyncadd.s32 $0xFFFFC000  }
0x279: {  	_ =	swait.ge [sflag:s10], $0x4000  }
0x27a: {  	[sflag:s10] =	ssyncset.done $0x0  }
0x27b: {  	[sflag:s10] =	ssyncadd.s32 $0xFFFFC000  }
0x27c: {  	[hbm4b:s5+s2] =	stream.linear.scatter [tilespmem:s2], [sflag:$0x7], $0x4000, $0x38;
	[tilespmem:$0x18000] =	vst v63  }
0x27d: {  	_ =	swait.ge [sflag:s9], $0x4000  }
0x27e: {  	[sflag:s9] =	ssyncset.done $0x0  }
0x27f: {  	[sflag:s9] =	ssyncadd.s32 $0xFFFFC000  }
0x280: {  	p1 =	sne.s32 s0, $0x1;
	_ =	swait.ge [sflag:s7], $0x4000  }
.Ltmp2:
0x281: {  	[sflag:s7] =	ssyncset.done $0x0;
	(pc) =	sbr.rel @p1 .LBB2_2-.Ltmp2, $4  }
0x282: {  	[sflag:s7] =	ssyncadd.s32 $0xFFFFC000  }
0x283: {  	[hbm4b:s3+s2] =	stream.linear.scatter [tilespmem:s4], [sflag:$0x8], $0x4000, $0x38;
	[tilespmem:$0x18000] =	vst v63  }
0x284: {  	_ =	swait.ge [sflag:s6], $0x4000  }
0x285: {  	s0 =	sadd.s32 $0xFFFFFFFF, s0;
	s1 =	rddreg [dreg:$0x5];
	[sflag:s6] =	ssyncset.done $0x0  }
.LBB2_3:
0x286: {  	[sflag:s6] =	ssyncadd.s32 @p0 $0xFFFFC000  }
0x287: {  	[tilespmem:s2], [sflag:$0x1] =	stream.linear.gather [hbm4b:s1+s2], $0x4000, $0x38;
	[tilespmem:$0x18000] =	vst v63  }
0x288: {  	s0 =	rddreg [dreg:$0x6]  }
0x289: {  	[tilespmem:s4], [sflag:$0x2] =	stream.linear.gather [hbm4b:s0+s2], $0x4000, $0x38;
	[tilespmem:$0x18000] =	vst v63  }
0x28a: {  	s1 =	rddreg [dreg:$0x7]  }
0x28b: {  	[tilespmem:s22], [sflag:$0x3] =	stream.linear.gather [hbm4b:s1+s2], $0x4000, $0x38;
	[tilespmem:$0x18000] =	vst v63  }
0x28c: {  	s0 =	rddreg [dreg:$0x8]  }
0x28d: {  	[tilespmem:s16], [sflag:$0x4] =	stream.linear.gather [hbm4b:s0+s2], $0x4000, $0x38;
	[tilespmem:$0x18000] =	vst v63  }
0x28e: {  	s1 =	rddreg [dreg:$0x9]  }
0x28f: {  	[tilespmem:s14], [sflag:$0x5] =	stream.linear.gather [hbm4b:s1+s2], $0x4000, $0x38;
	[tilespmem:$0x18000] =	vst v63  }
0x290: {  	s0 =	rddreg [dreg:$0xa]  }
0x291: {  	[tilespmem:s12], [sflag:$0x6] =	stream.linear.gather [hbm4b:s0+s2], $0x4000, $0x38;
	[tilespmem:$0x18000] =	vst v63  }
0x292: {  	_ =	swait.ge [sflag:s10], $0x4000  }
0x293: {  	[sflag:s10] =	ssyncset.done $0x0  }
0x294: {  	s1 =	rddreg [dreg:$0xb];
	[sflag:s10] =	ssyncadd.s32 $0xFFFFC000  }
0x295: {  	[hbm4b:s1+s2] =	stream.linear.scatter [tilespmem:s2], [sflag:$0x7], $0x4000, $0x38;
	[tilespmem:$0x18000] =	vst v63  }
0x296: {  	_ =	swait.ge [sflag:s9], $0x4000  }
0x297: {  	[sflag:s9] =	ssyncset.done $0x0  }
0x298: {  	s1 =	rddreg [dreg:$0xc];
	[sflag:s9] =	ssyncadd.s32 $0xFFFFC000  }
0x299: {  	[tilespmem:s2], [sflag:$0x1] =	stream.linear.gather [hbm4b:s1+s2], $0x4000, $0x38;
	[tilespmem:$0x18000] =	vst v63  }
0x29a: {  	_ =	swait.ge [sflag:s7], $0x4000  }
0x29b: {  	[sflag:s7] =	ssyncset.done $0x0  }
0x29c: {  	s1 =	rddreg [dreg:$0xd];
	[sflag:s7] =	ssyncadd.s32 $0xFFFFC000  }
0x29d: {  	[hbm4b:s1+s2] =	stream.linear.scatter [tilespmem:s4], [sflag:$0x8], $0x4000, $0x38;
	[tilespmem:$0x18000] =	vst v63  }
0x29e: {  	_ =	swait.ge [sflag:s6], $0x4000  }
0x29f: {  	[sflag:s6] =	ssyncset.done $0x0  }
0x2a0: {  	s1 =	rddreg [dreg:$0xe];
	[sflag:s6] =	ssyncadd.s32 $0xFFFFC000  }
0x2a1: {  	[tilespmem:s4], [sflag:$0x2] =	stream.linear.gather [hbm4b:s1+s2], $0x4000, $0x38;
	[tilespmem:$0x18000] =	vst v63  }
0x2a2: {  	_ =	swait.ge [sflag:s31], $0x4000  }
0x2a3: {  	[sflag:s31] =	ssyncset.done $0x0  }
0x2a4: {  	s1 =	rddreg [dreg:$0xf];
	[sflag:s31] =	ssyncadd.s32 $0xFFFFC000  }
0x2a5: {  	[hbm4b:s1+s2] =	stream.linear.scatter [tilespmem:s22], [sflag:$0x9], $0x4000, $0x38;
	[tilespmem:$0x18000] =	vst v63  }
0x2a6: {  	_ =	swait.ge [sflag:s28], $0x4000  }
0x2a7: {  	[sflag:s28] =	ssyncset.done $0x0  }
0x2a8: {  	s1 =	rddreg [dreg:$0x10];
	[sflag:s28] =	ssyncadd.s32 $0xFFFFC000  }
0x2a9: {  	[tilespmem:s22], [sflag:$0x3] =	stream.linear.gather [hbm4b:s1+s2], $0x4000, $0x38;
	[tilespmem:$0x18000] =	vst v63  }
0x2aa: {  	_ =	swait.ge [sflag:s30], $0x4000  }
0x2ab: {  	[sflag:s30] =	ssyncset.done $0x0  }
0x2ac: {  	s1 =	rddreg [dreg:$0x11];
	[sflag:s30] =	ssyncadd.s32 $0xFFFFC000  }
0x2ad: {  	[hbm4b:s1+s2] =	stream.linear.scatter [tilespmem:s16], [sflag:$0xA], $0x4000, $0x38;
	[tilespmem:$0x18000] =	vst v63  }
0x2ae: {  	_ =	swait.ge [sflag:s26], $0x4000  }
0x2af: {  	[sflag:s26] =	ssyncset.done $0x0  }
0x2b0: {  	s1 =	rddreg [dreg:$0x12];
	[sflag:s26] =	ssyncadd.s32 $0xFFFFC000  }
0x2b1: {  	[tilespmem:s16], [sflag:$0x4] =	stream.linear.gather [hbm4b:s1+s2], $0x4000, $0x38;
	[tilespmem:$0x18000] =	vst v63  }
0x2b2: {  	_ =	swait.ge [sflag:s24], $0x4000  }
0x2b3: {  	[sflag:s24] =	ssyncset.done $0x0  }
0x2b4: {  	s1 =	rddreg [dreg:$0x13];
	[sflag:s24] =	ssyncadd.s32 $0xFFFFC000  }
0x2b5: {  	[hbm4b:s1+s2] =	stream.linear.scatter [tilespmem:s14], [sflag:$0xB], $0x4000, $0x38;
	[tilespmem:$0x18000] =	vst v63  }
0x2b6: {  	_ =	swait.ge [sflag:s21], $0x4000  }
0x2b7: {  	[sflag:s21] =	ssyncset.done $0x0  }
0x2b8: {  	s1 =	rddreg [dreg:$0x14];
	[sflag:s21] =	ssyncadd.s32 $0xFFFFC000  }
0x2b9: {  	[tilespmem:s14], [sflag:$0x5] =	stream.linear.gather [hbm4b:s1+s2], $0x4000, $0x38;
	[tilespmem:$0x18000] =	vst v63  }
0x2ba: {  	_ =	swait.ge [sflag:s19], $0x4000  }
0x2bb: {  	[sflag:s19] =	ssyncset.done $0x0  }
0x2bc: {  	s1 =	rddreg [dreg:$0x15];
	[sflag:s19] =	ssyncadd.s32 $0xFFFFC000  }
0x2bd: {  	[hbm4b:s1+s2] =	stream.linear.scatter [tilespmem:s12], [sflag:$0xC], $0x4000, $0x38;
	[tilespmem:$0x18000] =	vst v63  }
0x2be: {  	_ =	swait.ge [sflag:s17], $0x4000  }
0x2bf: {  	[sflag:s17] =	ssyncset.done $0x0  }
0x2c0: {  	s1 =	rddreg [dreg:$0x16];
	[sflag:s17] =	ssyncadd.s32 $0xFFFFC000  }
0x2c1: {  	[tilespmem:s12], [sflag:$0x6] =	stream.linear.gather [hbm4b:s1+s2], $0x4000, $0x38;
	[tilespmem:$0x18000] =	vst v63  }
0x2c2: {  	_ =	swait.ge [sflag:s10], $0x4000  }
0x2c3: {  	[sflag:s10] =	ssyncset.done $0x0  }
0x2c4: {  	s1 =	rddreg [dreg:$0x17];
	[sflag:s10] =	ssyncadd.s32 $0xFFFFC000  }
0x2c5: {  	[hbm4b:s1+s2] =	stream.linear.scatter [tilespmem:s2], [sflag:$0x7], $0x4000, $0x38;
	[tilespmem:$0x18000] =	vst v63  }
0x2c6: {  	_ =	swait.ge [sflag:s9], $0x4000  }
0x2c7: {  	[sflag:s9] =	ssyncset.done $0x0  }
0x2c8: {  	s1 =	rddreg [dreg:$0x18];
	[sflag:s9] =	ssyncadd.s32 $0xFFFFC000  }
0x2c9: {  	[tilespmem:s2], [sflag:$0x1] =	stream.linear.gather [hbm4b:s1+s2], $0x4000, $0x38;
	[tilespmem:$0x18000] =	vst v63  }
0x2ca: {  	_ =	swait.ge [sflag:s7], $0x4000  }
0x2cb: {  	[sflag:s7] =	ssyncset.done $0x0  }
0x2cc: {  	s1 =	rddreg [dreg:$0x19];
	[sflag:s7] =	ssyncadd.s32 $0xFFFFC000  }
0x2cd: {  	[hbm4b:s1+s2] =	stream.linear.scatter [tilespmem:s4], [sflag:$0x8], $0x4000, $0x38;
	[tilespmem:$0x18000] =	vst v63  }
0x2ce: {  	_ =	swait.ge [sflag:s6], $0x4000  }
0x2cf: {  	[sflag:s6] =	ssyncset.done $0x0  }
0x2d0: {  	s1 =	rddreg [dreg:$0x1a];
	[sflag:s6] =	ssyncadd.s32 $0xFFFFC000  }
0x2d1: {  	[tilespmem:s4], [sflag:$0x2] =	stream.linear.gather [hbm4b:s1+s2], $0x4000, $0x38;
	[tilespmem:$0x18000] =	vst v63  }
0x2d2: {  	_ =	swait.ge [sflag:s31], $0x4000  }
0x2d3: {  	[sflag:s31] =	ssyncset.done $0x0  }
0x2d4: {  	s1 =	rddreg [dreg:$0x1b];
	[sflag:s31] =	ssyncadd.s32 $0xFFFFC000  }
0x2d5: {  	[hbm4b:s1+s2] =	stream.linear.scatter [tilespmem:s22], [sflag:$0x9], $0x4000, $0x38;
	[tilespmem:$0x18000] =	vst v63  }
0x2d6: {  	_ =	swait.ge [sflag:s28], $0x4000  }
0x2d7: {  	[sflag:s28] =	ssyncset.done $0x0  }
0x2d8: {  	s1 =	rddreg [dreg:$0x1c];
	[sflag:s28] =	ssyncadd.s32 $0xFFFFC000  }
0x2d9: {  	[tilespmem:s22], [sflag:$0x3] =	stream.linear.gather [hbm4b:s1+s2], $0x4000, $0x38;
	[tilespmem:$0x18000] =	vst v63  }
0x2da: {  	_ =	swait.ge [sflag:s30], $0x4000  }
0x2db: {  	[sflag:s30] =	ssyncset.done $0x0  }
0x2dc: {  	s1 =	rddreg [dreg:$0x1d];
	[sflag:s30] =	ssyncadd.s32 $0xFFFFC000  }
0x2dd: {  	[hbm4b:s1+s2] =	stream.linear.scatter [tilespmem:s16], [sflag:$0xA], $0x4000, $0x38;
	[tilespmem:$0x18000] =	vst v63  }
0x2de: {  	_ =	swait.ge [sflag:s26], $0x4000  }
0x2df: {  	[sflag:s26] =	ssyncset.done $0x0  }
0x2e0: {  	s1 =	rddreg [dreg:$0x1e];
	[sflag:s26] =	ssyncadd.s32 $0xFFFFC000  }
0x2e1: {  	[tilespmem:s16], [sflag:$0x4] =	stream.linear.gather [hbm4b:s1+s2], $0x4000, $0x38;
	[tilespmem:$0x18000] =	vst v63  }
0x2e2: {  	_ =	swait.ge [sflag:s24], $0x4000  }
0x2e3: {  	[sflag:s24] =	ssyncset.done $0x0  }
0x2e4: {  	s1 =	rddreg [dreg:$0x1f];
	[sflag:s24] =	ssyncadd.s32 $0xFFFFC000  }
0x2e5: {  	[hbm4b:s1+s2] =	stream.linear.scatter [tilespmem:s14], [sflag:$0xB], $0x4000, $0x38;
	[tilespmem:$0x18000] =	vst v63  }
0x2e6: {  	_ =	swait.ge [sflag:s21], $0x4000  }
0x2e7: {  	s1 =	sld [smem:$0x7E4]  }
0x2e8: {  	[sflag:s21] =	ssyncset.done $0x0  }
0x2e9: {  	[sflag:s21] =	ssyncadd.s32 $0xFFFFC000  }
0x2ea: {  	[tilespmem:s14], [sflag:$0x5] =	stream.linear.gather [hbm4b:s1+s2], $0x4000, $0x38;
	[tilespmem:$0x18000] =	vst v63  }
0x2eb: {  	_ =	swait.ge [sflag:s19], $0x4000  }
0x2ec: {  	s1 =	sld [smem:$0x7E5]  }
0x2ed: {  	[sflag:s19] =	ssyncset.done $0x0  }
0x2ee: {  	[sflag:s19] =	ssyncadd.s32 $0xFFFFC000  }
0x2ef: {  	[hbm4b:s1+s2] =	stream.linear.scatter [tilespmem:s12], [sflag:$0xC], $0x4000, $0x38;
	[tilespmem:$0x18000] =	vst v63  }
0x2f0: {  	_ =	swait.ge [sflag:s17], $0x4000  }
0x2f1: {  	s1 =	sld [smem:$0x7E6]  }
0x2f2: {  	[sflag:s17] =	ssyncset.done $0x0  }
0x2f3: {  	[sflag:s17] =	ssyncadd.s32 $0xFFFFC000  }
0x2f4: {  	[tilespmem:s12], [sflag:$0x6] =	stream.linear.gather [hbm4b:s1+s2], $0x4000, $0x38;
	[tilespmem:$0x18000] =	vst v63  }
0x2f5: {  	_ =	swait.ge [sflag:s10], $0x4000  }
0x2f6: {  	s1 =	sld [smem:$0x7E7]  }
0x2f7: {  	[sflag:s10] =	ssyncset.done $0x0  }
0x2f8: {  	[sflag:s10] =	ssyncadd.s32 $0xFFFFC000  }
0x2f9: {  	[hbm4b:s1+s2] =	stream.linear.scatter [tilespmem:s2], [sflag:$0x7], $0x4000, $0x38;
	[tilespmem:$0x18000] =	vst v63  }
0x2fa: {  	_ =	swait.ge [sflag:s9], $0x4000  }
0x2fb: {  	s1 =	sld [smem:$0x7E8]  }
0x2fc: {  	[sflag:s9] =	ssyncset.done $0x0  }
0x2fd: {  	[sflag:s9] =	ssyncadd.s32 $0xFFFFC000  }
0x2fe: {  	[tilespmem:s2], [sflag:$0x1] =	stream.linear.gather [hbm4b:s1+s2], $0x4000, $0x38;
	[tilespmem:$0x18000] =	vst v63  }
0x2ff: {  	_ =	swait.ge [sflag:s7], $0x4000  }
0x300: {  	s1 =	sld [smem:$0x7E9]  }
0x301: {  	[sflag:s7] =	ssyncset.done $0x0  }
0x302: {  	[sflag:s7] =	ssyncadd.s32 $0xFFFFC000  }
0x303: {  	[hbm4b:s1+s2] =	stream.linear.scatter [tilespmem:s4], [sflag:$0x8], $0x4000, $0x38;
	[tilespmem:$0x18000] =	vst v63  }
0x304: {  	_ =	swait.ge [sflag:s6], $0x4000  }
0x305: {  	s1 =	sld [smem:$0x7EA]  }
0x306: {  	[sflag:s6] =	ssyncset.done $0x0  }
0x307: {  	[sflag:s6] =	ssyncadd.s32 $0xFFFFC000  }
0x308: {  	[tilespmem:s4], [sflag:$0x2] =	stream.linear.gather [hbm4b:s1+s2], $0x4000, $0x38;
	[tilespmem:$0x18000] =	vst v63  }
0x309: {  	_ =	swait.ge [sflag:s31], $0x4000  }
0x30a: {  	s1 =	sld [smem:$0x7EB]  }
0x30b: {  	[sflag:s31] =	ssyncset.done $0x0  }
0x30c: {  	[sflag:s31] =	ssyncadd.s32 $0xFFFFC000  }
0x30d: {  	[hbm4b:s1+s2] =	stream.linear.scatter [tilespmem:s22], [sflag:$0x9], $0x4000, $0x38;
	[tilespmem:$0x18000] =	vst v63  }
0x30e: {  	_ =	swait.ge [sflag:s28], $0x4000  }
0x30f: {  	s1 =	sld [smem:$0x7EC]  }
0x310: {  	[sflag:s28] =	ssyncset.done $0x0  }
0x311: {  	[sflag:s28] =	ssyncadd.s32 $0xFFFFC000  }
0x312: {  	[tilespmem:s22], [sflag:$0x3] =	stream.linear.gather [hbm4b:s1+s2], $0x4000, $0x38;
	[tilespmem:$0x18000] =	vst v63  }
0x313: {  	_ =	swait.ge [sflag:s30], $0x4000  }
0x314: {  	s1 =	sld [smem:$0x7ED]  }
0x315: {  	[sflag:s30] =	ssyncset.done $0x0  }
0x316: {  	[sflag:s30] =	ssyncadd.s32 $0xFFFFC000  }
0x317: {  	[hbm4b:s1+s2] =	stream.linear.scatter [tilespmem:s16], [sflag:$0xA], $0x4000, $0x38;
	[tilespmem:$0x18000] =	vst v63  }
0x318: {  	_ =	swait.ge [sflag:s26], $0x4000  }
0x319: {  	s1 =	sld [smem:$0x7EE]  }
0x31a: {  	[sflag:s26] =	ssyncset.done $0x0  }
0x31b: {  	[sflag:s26] =	ssyncadd.s32 $0xFFFFC000  }
0x31c: {  	[tilespmem:s16], [sflag:$0x4] =	stream.linear.gather [hbm4b:s1+s2], $0x4000, $0x38;
	[tilespmem:$0x18000] =	vst v63  }
0x31d: {  	_ =	swait.ge [sflag:s24], $0x4000  }
0x31e: {  	s1 =	sld [smem:$0x7EF]  }
0x31f: {  	[sflag:s24] =	ssyncset.done $0x0  }
0x320: {  	[sflag:s24] =	ssyncadd.s32 $0xFFFFC000  }
0x321: {  	[hbm4b:s1+s2] =	stream.linear.scatter [tilespmem:s14], [sflag:$0xB], $0x4000, $0x38;
	[tilespmem:$0x18000] =	vst v63  }
0x322: {  	_ =	swait.ge [sflag:s21], $0x4000  }
0x323: {  	s1 =	sld [smem:$0x7F0]  }
0x324: {  	[sflag:s21] =	ssyncset.done $0x0  }
0x325: {  	[sflag:s21] =	ssyncadd.s32 $0xFFFFC000  }
0x326: {  	[tilespmem:s14], [sflag:$0x5] =	stream.linear.gather [hbm4b:s1+s2], $0x4000, $0x38;
	[tilespmem:$0x18000] =	vst v63  }
0x327: {  	_ =	swait.ge [sflag:s19], $0x4000  }
0x328: {  	s1 =	sld [smem:$0x7F1]  }
0x329: {  	[sflag:s19] =	ssyncset.done $0x0  }
0x32a: {  	[sflag:s19] =	ssyncadd.s32 $0xFFFFC000  }
0x32b: {  	[hbm4b:s1+s2] =	stream.linear.scatter [tilespmem:s12], [sflag:$0xC], $0x4000, $0x38;
	[tilespmem:$0x18000] =	vst v63  }
0x32c: {  	_ =	swait.ge [sflag:s17], $0x4000  }
0x32d: {  	s1 =	sld [smem:$0x7F2]  }
0x32e: {  	[sflag:s17] =	ssyncset.done $0x0  }
0x32f: {  	[sflag:s17] =	ssyncadd.s32 $0xFFFFC000  }
0x330: {  	[tilespmem:s12], [sflag:$0x6] =	stream.linear.gather [hbm4b:s1+s2], $0x4000, $0x38;
	[tilespmem:$0x18000] =	vst v63  }
0x331: {  	_ =	swait.ge [sflag:s10], $0x4000  }
0x332: {  	s1 =	sld [smem:$0x7F3]  }
0x333: {  	[sflag:s10] =	ssyncset.done $0x0  }
0x334: {  	[sflag:s10] =	ssyncadd.s32 $0xFFFFC000  }
0x335: {  	[hbm4b:s1+s2] =	stream.linear.scatter [tilespmem:s2], [sflag:$0x7], $0x4000, $0x38;
	[tilespmem:$0x18000] =	vst v63  }
0x336: {  	_ =	swait.ge [sflag:s9], $0x4000  }
0x337: {  	s1 =	sld [smem:$0x7F4]  }
0x338: {  	[sflag:s9] =	ssyncset.done $0x0  }
0x339: {  	[sflag:s9] =	ssyncadd.s32 $0xFFFFC000  }
0x33a: {  	[tilespmem:s2], [sflag:$0x1] =	stream.linear.gather [hbm4b:s1+s2], $0x4000, $0x38;
	[tilespmem:$0x18000] =	vst v63  }
0x33b: {  	_ =	swait.ge [sflag:s7], $0x4000  }
0x33c: {  	s1 =	sld [smem:$0x7F5]  }
0x33d: {  	[sflag:s7] =	ssyncset.done $0x0  }
0x33e: {  	[sflag:s7] =	ssyncadd.s32 $0xFFFFC000  }
0x33f: {  	[hbm4b:s1+s2] =	stream.linear.scatter [tilespmem:s4], [sflag:$0x8], $0x4000, $0x38;
	[tilespmem:$0x18000] =	vst v63  }
0x340: {  	_ =	swait.ge [sflag:s6], $0x4000  }
0x341: {  	s1 =	sld [smem:$0x7F6]  }
0x342: {  	[sflag:s6] =	ssyncset.done $0x0  }
0x343: {  	[sflag:s6] =	ssyncadd.s32 $0xFFFFC000  }
0x344: {  	[tilespmem:s4], [sflag:$0x2] =	stream.linear.gather [hbm4b:s1+s2], $0x4000, $0x38;
	[tilespmem:$0x18000] =	vst v63  }
0x345: {  	_ =	swait.ge [sflag:s31], $0x4000  }
0x346: {  	s1 =	sld [smem:$0x7F7]  }
0x347: {  	[sflag:s31] =	ssyncset.done $0x0  }
0x348: {  	[sflag:s31] =	ssyncadd.s32 $0xFFFFC000  }
0x349: {  	[hbm4b:s1+s2] =	stream.linear.scatter [tilespmem:s22], [sflag:$0x9], $0x4000, $0x38;
	[tilespmem:$0x18000] =	vst v63  }
0x34a: {  	_ =	swait.ge [sflag:s28], $0x4000  }
0x34b: {  	s1 =	sld [smem:$0x7F8]  }
0x34c: {  	[sflag:s28] =	ssyncset.done $0x0  }
0x34d: {  	[sflag:s28] =	ssyncadd.s32 $0xFFFFC000  }
0x34e: {  	[tilespmem:s22], [sflag:$0x3] =	stream.linear.gather [hbm4b:s1+s2], $0x4000, $0x38;
	[tilespmem:$0x18000] =	vst v63  }
0x34f: {  	_ =	swait.ge [sflag:s30], $0x4000  }
0x350: {  	s1 =	sld [smem:$0x7F9]  }
0x351: {  	[sflag:s30] =	ssyncset.done $0x0  }
0x352: {  	[sflag:s30] =	ssyncadd.s32 $0xFFFFC000  }
0x353: {  	[hbm4b:s1+s2] =	stream.linear.scatter [tilespmem:s16], [sflag:$0xA], $0x4000, $0x38;
	[tilespmem:$0x18000] =	vst v63  }
0x354: {  	_ =	swait.ge [sflag:s26], $0x4000  }
0x355: {  	s1 =	sld [smem:$0x7FA]  }
0x356: {  	[sflag:s26] =	ssyncset.done $0x0  }
0x357: {  	[sflag:s26] =	ssyncadd.s32 $0xFFFFC000  }
0x358: {  	[tilespmem:s16], [sflag:$0x4] =	stream.linear.gather [hbm4b:s1+s2], $0x4000, $0x38;
	[tilespmem:$0x18000] =	vst v63  }
0x359: {  	_ =	swait.ge [sflag:s24], $0x4000  }
0x35a: {  	s1 =	sld [smem:$0x7FB]  }
0x35b: {  	[sflag:s24] =	ssyncset.done $0x0  }
0x35c: {  	[sflag:s24] =	ssyncadd.s32 $0xFFFFC000  }
0x35d: {  	[hbm4b:s1+s2] =	stream.linear.scatter [tilespmem:s14], [sflag:$0xB], $0x4000, $0x38;
	[tilespmem:$0x18000] =	vst v63  }
0x35e: {  	_ =	swait.ge [sflag:s21], $0x4000  }
0x35f: {  	s1 =	sld [smem:$0x7FC]  }
0x360: {  	[sflag:s21] =	ssyncset.done $0x0  }
0x361: {  	[sflag:s21] =	ssyncadd.s32 $0xFFFFC000  }
0x362: {  	[tilespmem:s14], [sflag:$0x5] =	stream.linear.gather [hbm4b:s1+s2], $0x4000, $0x38;
	[tilespmem:$0x18000] =	vst v63  }
0x363: {  	_ =	swait.ge [sflag:s19], $0x4000  }
0x364: {  	s1 =	sld [smem:$0x7FD]  }
0x365: {  	[sflag:s19] =	ssyncset.done $0x0  }
0x366: {  	[sflag:s19] =	ssyncadd.s32 $0xFFFFC000  }
0x367: {  	[hbm4b:s1+s2] =	stream.linear.scatter [tilespmem:s12], [sflag:$0xC], $0x4000, $0x38;
	[tilespmem:$0x18000] =	vst v63  }
0x368: {  	_ =	swait.ge [sflag:s17], $0x4000  }
0x369: {  	[sflag:s17] =	ssyncset.done $0x0  }
0x36a: {  	[sflag:s17] =	ssyncadd.s32 $0xFFFFC000  }
0x36b: {  	[tilespmem:s12], [sflag:$0x6] =	stream.linear.gather [hbm4b:s29+s2], $0x4000, $0x38;
	[tilespmem:$0x18000] =	vst v63  }
0x36c: {  	_ =	swait.ge [sflag:s10], $0x4000  }
0x36d: {  	[sflag:s10] =	ssyncset.done $0x0  }
0x36e: {  	[sflag:s10] =	ssyncadd.s32 $0xFFFFC000  }
0x36f: {  	[hbm4b:s25+s2] =	stream.linear.scatter [tilespmem:s2], [sflag:$0x7], $0x4000, $0x38;
	[tilespmem:$0x18000] =	vst v63  }
0x370: {  	_ =	swait.ge [sflag:s9], $0x4000  }
0x371: {  	[sflag:s9] =	ssyncset.done $0x0  }
0x372: {  	[sflag:s9] =	ssyncadd.s32 $0xFFFFC000  }
0x373: {  	[tilespmem:s2], [sflag:$0x1] =	stream.linear.gather [hbm4b:s23+s2], $0x4000, $0x38;
	[tilespmem:$0x18000] =	vst v63  }
0x374: {  	_ =	swait.ge [sflag:s7], $0x4000  }
0x375: {  	[sflag:s7] =	ssyncset.done $0x0  }
0x376: {  	[sflag:s7] =	ssyncadd.s32 $0xFFFFC000  }
0x377: {  	[hbm4b:s20+s2] =	stream.linear.scatter [tilespmem:s4], [sflag:$0x8], $0x4000, $0x38;
	[tilespmem:$0x18000] =	vst v63  }
0x378: {  	_ =	swait.ge [sflag:s6], $0x4000  }
0x379: {  	[sflag:s6] =	ssyncset.done $0x0  }
0x37a: {  	[sflag:s6] =	ssyncadd.s32 $0xFFFFC000  }
0x37b: {  	[tilespmem:s4], [sflag:$0x2] =	stream.linear.gather [hbm4b:s18+s2], $0x4000, $0x38;
	[tilespmem:$0x18000] =	vst v63  }
0x37c: {  	_ =	swait.ge [sflag:s31], $0x4000  }
0x37d: {  	[sflag:s31] =	ssyncset.done $0x0  }
0x37e: {  	[sflag:s31] =	ssyncadd.s32 $0xFFFFC000  }
0x37f: {  	[hbm4b:s15+s2] =	stream.linear.scatter [tilespmem:s22], [sflag:$0x9], $0x4000, $0x38;
	[tilespmem:$0x18000] =	vst v63  }
0x380: {  	_ =	swait.ge [sflag:s28], $0x4000  }
0x381: {  	[sflag:s28] =	ssyncset.done $0x0  }
0x382: {  	[sflag:s28] =	ssyncadd.s32 $0xFFFFC000  }
0x383: {  	_ =	swait.ge [sflag:s30], $0x4000  }
0x384: {  	[sflag:s30] =	ssyncset.done $0x0  }
0x385: {  	[sflag:s30] =	ssyncadd.s32 $0xFFFFC000  }
0x386: {  	[hbm4b:s13+s2] =	stream.linear.scatter [tilespmem:s16], [sflag:$0xA], $0x4000, $0x38;
	[tilespmem:$0x18000] =	vst v63  }
0x387: {  	_ =	swait.ge [sflag:s26], $0x4000  }
0x388: {  	[sflag:s26] =	ssyncset.done $0x0  }
0x389: {  	[sflag:s26] =	ssyncadd.s32 $0xFFFFC000  }
0x38a: {  	_ =	swait.ge [sflag:s24], $0x4000  }
0x38b: {  	[sflag:s24] =	ssyncset.done $0x0  }
0x38c: {  	[sflag:s24] =	ssyncadd.s32 $0xFFFFC000  }
0x38d: {  	[hbm4b:s11+s2] =	stream.linear.scatter [tilespmem:s14], [sflag:$0xB], $0x4000, $0x38;
	[tilespmem:$0x18000] =	vst v63  }
0x38e: {  	_ =	swait.ge [sflag:s21], $0x4000  }
0x38f: {  	[sflag:s21] =	ssyncset.done $0x0  }
0x390: {  	[sflag:s21] =	ssyncadd.s32 $0xFFFFC000  }
0x391: {  	_ =	swait.ge [sflag:s19], $0x4000  }
0x392: {  	[sflag:s19] =	ssyncset.done $0x0  }
0x393: {  	[sflag:s19] =	ssyncadd.s32 $0xFFFFC000  }
0x394: {  	[hbm4b:s8+s2] =	stream.linear.scatter [tilespmem:s12], [sflag:$0xC], $0x4000, $0x38;
	[tilespmem:$0x18000] =	vst v63  }
0x395: {  	_ =	swait.ge [sflag:s17], $0x4000  }
0x396: {  	[sflag:s17] =	ssyncset.done $0x0  }
0x397: {  	[sflag:s17] =	ssyncadd.s32 $0xFFFFC000  }
0x398: {  	_ =	swait.ge [sflag:s10], $0x4000  }
0x399: {  	[sflag:s10] =	ssyncset.done $0x0  }
0x39a: {  	[sflag:s10] =	ssyncadd.s32 $0xFFFFC000  }
0x39b: {  	[hbm4b:s5+s2] =	stream.linear.scatter [tilespmem:s2], [sflag:$0x7], $0x4000, $0x38;
	[tilespmem:$0x18000] =	vst v63  }
0x39c: {  	_ =	swait.ge [sflag:s9], $0x4000  }
0x39d: {  	[sflag:s9] =	ssyncset.done $0x0  }
0x39e: {  	[sflag:s9] =	ssyncadd.s32 $0xFFFFC000  }
0x39f: {  	_ =	swait.ge [sflag:s7], $0x4000  }
0x3a0: {  	[sflag:s7] =	ssyncset.done $0x0  }
0x3a1: {  	[sflag:s7] =	ssyncadd.s32 $0xFFFFC000  }
0x3a2: {  	[hbm4b:s3+s2] =	stream.linear.scatter [tilespmem:s4], [sflag:$0x8], $0x4000, $0x38;
	[tilespmem:$0x18000] =	vst v63  }
0x3a3: {  	_ =	swait.ge [sflag:s6], $0x4000  }
0x3a4: {  	[sflag:s6] =	ssyncset.done $0x0  }
0x3a5: {  	[sflag:s6] =	ssyncadd.s32 $0xFFFFC000  }
0x3a6: {  	_ =	sfence.sel $0x180000  }
0x3a7: {  	[bflag:$0x0] =	sbarrier.arrive $0xFFFF  }
0x3a8: {  	_ =	strace $0x90000047  }
0x3a9: {  	s31 =	stileid.u32;
	[bflag:$0x2] =	sbarrier.arrive $0xFFFF  }
0x3aa: {  	p0 =	sne.s32 s31, $0x0;
	s0 =	rddreg [dreg:$0x4]  }
0x3ab: {  	s0 =	sadd.s32 @!p0 $0x100000, s0  }
0x3ac: {  	[sflag:s0] =	ssyncadd.tile.s32 @!p0 $0x1;
	_ =	shalt  }
.Lfunc_end2:
_tile_overlayer_lowered:
.L_overlay_start_2:
0x3ad: {  	(tag) =	ssettag $0x2  }
0x3ae: {  	s0 =	rddreg [dreg:$0x0];
	s2 =	stileid.u32  }
0x3af: {  	s1 =	rddreg [dreg:$0x1];
	p0 =	sne.s32 s2, $0x0  }
0x3b0: {  	s3 =	rddreg [dreg:$0x2];
	[bflag:$0x3] =	sbarrier.arrive $0xFFFF;
	s2 =	simm.s32 @!p0 $0x1C0D  }
0x3b1: {  	[timem:s3], [sflag:s2] =	dma.local @!p0 [hbm:s0], s1  }
0x3b2: {  	s0 =	simm.s32 @!p0 $0xD  }
0x3b3: {  	_ =	swait.ge @!p0 [sflag:s0], s1  }
0x3b4: {  	s1 =	ssub.s32 @!p0 $0x0, s1;
	[sflag:s0] =	ssyncset.done @!p0 $0x0  }
0x3b5: {  	[sflag:s0] =	ssyncadd.s32 @!p0 s1  }
0x3b6: {  	[bflag:$0x3] =	sbarrier.arrive $0xFFFF  }
0x3b7: {  	_ =	shalt  }

</sc_bundles>
